<compile_context>
chip_gen: v7x
topology: tpu7x:2x2x1
jax: 0.10.2.dev20260603
libtpu: 0.0.44.dev20260713+nightly
codegen_flags: <defaults>
</compile_context>

<pallas_src>
import functools

import jax
import jax.numpy as jnp
from jax import lax
from jax.experimental import pallas as pl
from jax.experimental.pallas import tpu as pltpu
from jax.experimental.pallas import tpu_sc as plsc

_KNN = 5
_BIG = 3.0e38
_IMAX = 2**31 - 1
_NC = 2
_NS = 16
_NW = _NC * _NS


def _make_topk(Q, D, K, TK, T):

    def body(x_ref, qt_ref, out_ref, run_d_ref, run_i_ref):
        t = pl.program_id(0)

        @pl.when(t == 0)
        def _init():
            run_d_ref[...] = jnp.full((8, Q), _BIG, jnp.float32)
            run_i_ref[...] = jnp.full((8, Q), _IMAX, jnp.int32)

        x = x_ref[...]
        qt = qt_ref[...]
        k_sq = jnp.sum(x * x, axis=1, keepdims=True)
        q_sq = jnp.sum(qt * qt, axis=0, keepdims=True)
        mm = jnp.dot(x, qt, preferred_element_type=jnp.float32)
        d2 = q_sq + k_sq - 2.0 * mm
        dist = jnp.sqrt(jnp.maximum(d2, 0.0))
        gidx = lax.broadcasted_iota(jnp.int32, (TK, Q), 0) + t * TK

        run_d = run_d_ref[...]
        run_i = run_i_ref[...]
        for j in range(_KNN):
            m = jnp.minimum(
                jnp.min(dist, axis=0, keepdims=True),
                jnp.min(run_d, axis=0, keepdims=True),
            )
            off = lax.bitcast_convert_type(dist - m, jnp.int32)
            pw = jnp.min(gidx + off, axis=0, keepdims=True)
            pr = jnp.min(jnp.where(run_d == m, run_i, _IMAX), axis=0, keepdims=True)
            pick = jnp.minimum(pw, pr)
            run_d_ref[j:j + 1, :] = m
            run_i_ref[j:j + 1, :] = pick
            dist = jnp.where(gidx == pick, _BIG, dist)
            run_d = jnp.where(run_i == pick, _BIG, run_d)

        @pl.when(t == T - 1)
        def _out():
            out_ref[...] = run_i_ref[...]

    return pl.pallas_call(
        body,
        grid=(T,),
        in_specs=[
            pl.BlockSpec((TK, D), lambda t: (t, 0)),
            pl.BlockSpec((D, Q), lambda t: (0, 0)),
        ],
        out_specs=pl.BlockSpec((8, Q), lambda t: (0, 0)),
        out_shape=jax.ShapeDtypeStruct((8, Q), jnp.int32),
        scratch_shapes=[
            pltpu.VMEM((8, Q), jnp.float32),
            pltpu.VMEM((8, Q), jnp.int32),
        ],
    )


def _make_vote(Q):
    qpw = Q // _NW
    assert qpw % 16 == 0 and (qpw * _KNN) % 8 == 0
    mesh = plsc.VectorSubcoreMesh(core_axis_name="c", subcore_axis_name="s")

    @functools.partial(
        pl.kernel,
        mesh=mesh,
        out_type=jax.ShapeDtypeStruct((Q,), jnp.int32),
        scratch_types=[
            pltpu.VMEM((_KNN, qpw), jnp.int32),
            pltpu.VMEM((_KNN, qpw), jnp.int32),
            pltpu.VMEM((qpw,), jnp.int32),
            pltpu.SemaphoreType.DMA,
        ],
    )
    def vote(idx_hbm, y_hbm, out_hbm, idx_v, lab_v, pred_v, sem):
        wid = lax.axis_index("s") * _NC + lax.axis_index("c")
        base = wid * qpw
        for j in range(_KNN):
            pltpu.sync_copy(idx_hbm.at[j, pl.ds(base, qpw)], idx_v.at[j])
        copies = [
            pltpu.async_copy(y_hbm.at[idx_v.at[j]], lab_v.at[j], sem)
            for j in range(_KNN)
        ]
        for c in copies:
            c.wait()
        one = jnp.full((16,), 1, jnp.int32)
        zero = jnp.zeros((16,), jnp.int32)
        for s in range(qpw // 16):
            sl = pl.ds(s * 16, 16)
            l = [lab_v[j, sl] for j in range(_KNN)]
            pred = None
            best = None
            for j in range(_KNN):
                cnt = zero
                for j2 in range(_KNN):
                    cnt = cnt + jnp.where(l[j] == l[j2], one, zero)
                score = cnt * 1000 - l[j]
                if j == 0:
                    pred, best = l[j], score
                else:
                    upd = score > best
                    pred = jnp.where(upd, l[j], pred)
                    best = jnp.where(upd, score, best)
            pred_v[sl] = pred
        pltpu.sync_copy(pred_v, out_hbm.at[pl.ds(base, qpw)])

    return vote


def kernel(X_train, X_test, y_train):
    K, D = X_train.shape
    Q = X_test.shape[0]
    TK = 2000 if K % 2000 == 0 else 2048
    T = -(-K // TK)
    Kp = T * TK
    if Kp != K:
        X_train = jnp.pad(X_train, ((0, Kp - K), (0, 0)),
                          constant_values=1.0e15)
    qt = jnp.transpose(X_test)
    top = _make_topk(Q, D, K, TK, T)(X_train, qt)
    return _make_vote(Q)(top, y_train)

# --- scband reference (transcript-rebuilt; emitter-appended) ---
"""Pipeline reference for scband-knnclassifier-7215545057607 (READ-ONLY COPY).

The authoritative reference and input builder live on the scoring server;
editing this copy changes nothing except your own understanding.
"""

import jax, jax.numpy as jnp
import numpy as np

N_NEIGHBORS = 5
NUM_CLASSES = 100


def setup_inputs(seed: int = 0) -> dict:
    key = jax.random.key(seed)
    k1, k2, k3 = jax.random.split(key, 3)
    X_train = jax.random.normal(k1, (100000, 32), dtype=jnp.float32)
    X_test = jax.random.normal(k2, (1024, 32), dtype=jnp.float32)
    y_train = jax.random.randint(k3, (100000,), 0, NUM_CLASSES, dtype=jnp.int32)
    return {"X_train": X_train, "X_test": X_test, "y_train": y_train}


def _mode_along_last(labels):
    # labels: [Q, k] int. torch.mode returns the most frequent value;
    # ties broken by the smallest value.
    counts = (labels[:, :, None] == labels[:, None, :]).sum(axis=-1)  # [Q, k]
    # score: maximize count, then minimize label value on ties
    score = counts * (NUM_CLASSES * 10) - labels
    j = jnp.argmax(score, axis=1)
    preds = jnp.take_along_axis(labels, j[:, None], axis=1)[:, 0]
    return preds


def reference(X_train, X_test, y_train):
    # torch.cdist(X_test, X_train, p=2) via the Gram-matrix identity
    q_sq = jnp.sum(X_test * X_test, axis=-1, keepdims=True)        # [Q, 1]
    k_sq = jnp.sum(X_train * X_train, axis=-1)[None, :]            # [1, K]
    d2 = q_sq + k_sq - 2.0 * (X_test @ X_train.T)                  # [Q, K]
    dist = jnp.sqrt(jnp.maximum(d2, 0.0))
    # topk smallest distances
    _, indices = jax.lax.top_k(-dist, N_NEIGHBORS)                 # [Q, k]
    nearest_labels = jnp.take(y_train, indices, axis=0)            # [Q, k]
    predictions = _mode_along_last(nearest_labels)
    return predictions

if __name__ == "__main__":
    import jax
    _d = setup_inputs()
    print(jax.jit(kernel)(*tuple(_d.values())))

</pallas_src>

<mosaic_0001>
#map = affine_map<(d0, d1) -> (0, 0)>
#map1 = affine_map<(d0, d1) -> (0)>
module attributes {stable_mosaic.version = 14 : i64} {
  func.func @vote(%arg0: i32, %arg1: i32, %arg2: memref<8x1024xi32, #tpu.memory_space<hbm>>, %arg3: memref<100000xi32, #tpu.memory_space<hbm>>, %arg4: memref<1024xi32, #tpu.memory_space<hbm>>, %arg5: memref<5x32xi32, #tpu.memory_space<vmem>>, %arg6: memref<5x32xi32, #tpu.memory_space<vmem>>, %arg7: memref<32xi32, #tpu.memory_space<vmem>>, %arg8: memref<!tpu.dma_semaphore, #tpu.memory_space<semaphore_mem>>) attributes {dimension_semantics = [#tpu.dimension_semantics<core_parallel>, #tpu.dimension_semantics<subcore_parallel>], iteration_bounds = array<i64: 2, 16>, scalar_prefetch = 0 : i64, scratch_operands = 4 : i64, tpu.core_type = #tpu.core_type<sc_vector_subcore>, window_params = [{transform_indices = #map}, {transform_indices = #map1}, {transform_indices = #map1}]} {
    %mul3A = arith.constant 2 : i32
    %mul3A_0 = arith.muli %arg1, %mul3A : i32
    %add3A = arith.addi %mul3A_0, %arg0 : i32
    %mul3A_1 = arith.constant 32 : i32
    %mul3A_2 = arith.muli %add3A, %mul3A_1 : i32
    %run_scoped3A = arith.constant 0 : i32
    %run_scoped3A_3 = arith.constant 0 : i32
    "tpu.region"() ({
      %run_scoped3A_379 = tpu.sem_alloc : memref<!tpu.dma_semaphore, #tpu.memory_space<semaphore_mem>>
      %dma_start3A_380 = arith.constant 0 : i32
      %dma_start3A_381 = tpu.memref_slice %arg5[%run_scoped3A_3, %dma_start3A_380] : memref<5x32xi32, #tpu.memory_space<vmem>> -> memref<1x32xi32, #tpu.memory_space<vmem>>
      %dma_start3A_382 = tpu.memref_squeeze %dma_start3A_381 : memref<1x32xi32, #tpu.memory_space<vmem>> -> memref<32xi32, #tpu.memory_space<vmem>>
      %dma_start3A_383 = tpu.memref_slice %arg2[%run_scoped3A, %mul3A_2] : memref<8x1024xi32, #tpu.memory_space<hbm>> -> memref<1x32xi32, #tpu.memory_space<hbm>>
      %dma_start3A_384 = tpu.memref_squeeze %dma_start3A_383 : memref<1x32xi32, #tpu.memory_space<hbm>> -> memref<32xi32, #tpu.memory_space<hbm>>
      %dma_start3A_385 = arith.constant 0 : i32
      %dma_start3A_386 = tpu.memref_slice %arg5[%run_scoped3A_3, %dma_start3A_385] : memref<5x32xi32, #tpu.memory_space<vmem>> -> memref<1x32xi32, #tpu.memory_space<vmem>>
      %dma_start3A_387 = tpu.memref_squeeze %dma_start3A_386 : memref<1x32xi32, #tpu.memory_space<vmem>> -> memref<32xi32, #tpu.memory_space<vmem>>
      %dma_start3A_388 = tpu.memref_slice %arg2[%run_scoped3A, %mul3A_2] : memref<8x1024xi32, #tpu.memory_space<hbm>> -> memref<1x32xi32, #tpu.memory_space<hbm>>
      %dma_start3A_389 = tpu.memref_squeeze %dma_start3A_388 : memref<1x32xi32, #tpu.memory_space<hbm>> -> memref<32xi32, #tpu.memory_space<hbm>>
      tpu.enqueue_dma source(%dma_start3A_389 : memref<32xi32, #tpu.memory_space<hbm>>) target(%dma_start3A_387 : memref<32xi32, #tpu.memory_space<vmem>>) target_semaphore(%run_scoped3A_379 : memref<!tpu.dma_semaphore, #tpu.memory_space<semaphore_mem>>)
      %dma_wait3A_390 = arith.constant 0 : i32
      %dma_wait3A_391 = tpu.memref_slice %arg5[%run_scoped3A_3, %dma_wait3A_390] : memref<5x32xi32, #tpu.memory_space<vmem>> -> memref<1x32xi32, #tpu.memory_space<vmem>>
      %dma_wait3A_392 = tpu.memref_squeeze %dma_wait3A_391 : memref<1x32xi32, #tpu.memory_space<vmem>> -> memref<32xi32, #tpu.memory_space<vmem>>
      %dma_wait3A_393 = tpu.memref_slice %arg2[%run_scoped3A, %mul3A_2] : memref<8x1024xi32, #tpu.memory_space<hbm>> -> memref<1x32xi32, #tpu.memory_space<hbm>>
      %dma_wait3A_394 = tpu.memref_squeeze %dma_wait3A_393 : memref<1x32xi32, #tpu.memory_space<hbm>> -> memref<32xi32, #tpu.memory_space<hbm>>
      %dma_wait3A_395 = arith.constant 0 : i32
      %dma_wait3A_396 = tpu.memref_slice %arg5[%run_scoped3A_3, %dma_wait3A_395] : memref<5x32xi32, #tpu.memory_space<vmem>> -> memref<1x32xi32, #tpu.memory_space<vmem>>
      %dma_wait3A_397 = tpu.memref_squeeze %dma_wait3A_396 : memref<1x32xi32, #tpu.memory_space<vmem>> -> memref<32xi32, #tpu.memory_space<vmem>>
      %dma_wait3A_398 = tpu.memref_slice %arg2[%run_scoped3A, %mul3A_2] : memref<8x1024xi32, #tpu.memory_space<hbm>> -> memref<1x32xi32, #tpu.memory_space<hbm>>
      %dma_wait3A_399 = tpu.memref_squeeze %dma_wait3A_398 : memref<1x32xi32, #tpu.memory_space<hbm>> -> memref<32xi32, #tpu.memory_space<hbm>>
      tpu.wait_dma2 semaphore(%run_scoped3A_379 : memref<!tpu.dma_semaphore, #tpu.memory_space<semaphore_mem>>) src(%dma_wait3A_399 : memref<32xi32, #tpu.memory_space<hbm>>) dst(%dma_wait3A_397 : memref<32xi32, #tpu.memory_space<vmem>>)
      tpu.yield
    }) : () -> ()
    %run_scoped3A_4 = arith.constant 1 : i32
    %run_scoped3A_5 = arith.constant 1 : i32
    "tpu.region"() ({
      %run_scoped3A_379 = tpu.sem_alloc : memref<!tpu.dma_semaphore, #tpu.memory_space<semaphore_mem>>
      %dma_start3A_380 = arith.constant 0 : i32
      %dma_start3A_381 = tpu.memref_slice %arg5[%run_scoped3A_5, %dma_start3A_380] : memref<5x32xi32, #tpu.memory_space<vmem>> -> memref<1x32xi32, #tpu.memory_space<vmem>>
      %dma_start3A_382 = tpu.memref_squeeze %dma_start3A_381 : memref<1x32xi32, #tpu.memory_space<vmem>> -> memref<32xi32, #tpu.memory_space<vmem>>
      %dma_start3A_383 = tpu.memref_slice %arg2[%run_scoped3A_4, %mul3A_2] : memref<8x1024xi32, #tpu.memory_space<hbm>> -> memref<1x32xi32, #tpu.memory_space<hbm>>
      %dma_start3A_384 = tpu.memref_squeeze %dma_start3A_383 : memref<1x32xi32, #tpu.memory_space<hbm>> -> memref<32xi32, #tpu.memory_space<hbm>>
      %dma_start3A_385 = arith.constant 0 : i32
      %dma_start3A_386 = tpu.memref_slice %arg5[%run_scoped3A_5, %dma_start3A_385] : memref<5x32xi32, #tpu.memory_space<vmem>> -> memref<1x32xi32, #tpu.memory_space<vmem>>
      %dma_start3A_387 = tpu.memref_squeeze %dma_start3A_386 : memref<1x32xi32, #tpu.memory_space<vmem>> -> memref<32xi32, #tpu.memory_space<vmem>>
      %dma_start3A_388 = tpu.memref_slice %arg2[%run_scoped3A_4, %mul3A_2] : memref<8x1024xi32, #tpu.memory_space<hbm>> -> memref<1x32xi32, #tpu.memory_space<hbm>>
      %dma_start3A_389 = tpu.memref_squeeze %dma_start3A_388 : memref<1x32xi32, #tpu.memory_space<hbm>> -> memref<32xi32, #tpu.memory_space<hbm>>
      tpu.enqueue_dma source(%dma_start3A_389 : memref<32xi32, #tpu.memory_space<hbm>>) target(%dma_start3A_387 : memref<32xi32, #tpu.memory_space<vmem>>) target_semaphore(%run_scoped3A_379 : memref<!tpu.dma_semaphore, #tpu.memory_space<semaphore_mem>>)
      %dma_wait3A_390 = arith.constant 0 : i32
      %dma_wait3A_391 = tpu.memref_slice %arg5[%run_scoped3A_5, %dma_wait3A_390] : memref<5x32xi32, #tpu.memory_space<vmem>> -> memref<1x32xi32, #tpu.memory_space<vmem>>
      %dma_wait3A_392 = tpu.memref_squeeze %dma_wait3A_391 : memref<1x32xi32, #tpu.memory_space<vmem>> -> memref<32xi32, #tpu.memory_space<vmem>>
      %dma_wait3A_393 = tpu.memref_slice %arg2[%run_scoped3A_4, %mul3A_2] : memref<8x1024xi32, #tpu.memory_space<hbm>> -> memref<1x32xi32, #tpu.memory_space<hbm>>
      %dma_wait3A_394 = tpu.memref_squeeze %dma_wait3A_393 : memref<1x32xi32, #tpu.memory_space<hbm>> -> memref<32xi32, #tpu.memory_space<hbm>>
      %dma_wait3A_395 = arith.constant 0 : i32
      %dma_wait3A_396 = tpu.memref_slice %arg5[%run_scoped3A_5, %dma_wait3A_395] : memref<5x32xi32, #tpu.memory_space<vmem>> -> memref<1x32xi32, #tpu.memory_space<vmem>>
      %dma_wait3A_397 = tpu.memref_squeeze %dma_wait3A_396 : memref<1x32xi32, #tpu.memory_space<vmem>> -> memref<32xi32, #tpu.memory_space<vmem>>
      %dma_wait3A_398 = tpu.memref_slice %arg2[%run_scoped3A_4, %mul3A_2] : memref<8x1024xi32, #tpu.memory_space<hbm>> -> memref<1x32xi32, #tpu.memory_space<hbm>>
      %dma_wait3A_399 = tpu.memref_squeeze %dma_wait3A_398 : memref<1x32xi32, #tpu.memory_space<hbm>> -> memref<32xi32, #tpu.memory_space<hbm>>
      tpu.wait_dma2 semaphore(%run_scoped3A_379 : memref<!tpu.dma_semaphore, #tpu.memory_space<semaphore_mem>>) src(%dma_wait3A_399 : memref<32xi32, #tpu.memory_space<hbm>>) dst(%dma_wait3A_397 : memref<32xi32, #tpu.memory_space<vmem>>)
      tpu.yield
    }) : () -> ()
    %run_scoped3A_6 = arith.constant 2 : i32
    %run_scoped3A_7 = arith.constant 2 : i32
    "tpu.region"() ({
      %run_scoped3A_379 = tpu.sem_alloc : memref<!tpu.dma_semaphore, #tpu.memory_space<semaphore_mem>>
      %dma_start3A_380 = arith.constant 0 : i32
      %dma_start3A_381 = tpu.memref_slice %arg5[%run_scoped3A_7, %dma_start3A_380] : memref<5x32xi32, #tpu.memory_space<vmem>> -> memref<1x32xi32, #tpu.memory_space<vmem>>
      %dma_start3A_382 = tpu.memref_squeeze %dma_start3A_381 : memref<1x32xi32, #tpu.memory_space<vmem>> -> memref<32xi32, #tpu.memory_space<vmem>>
      %dma_start3A_383 = tpu.memref_slice %arg2[%run_scoped3A_6, %mul3A_2] : memref<8x1024xi32, #tpu.memory_space<hbm>> -> memref<1x32xi32, #tpu.memory_space<hbm>>
      %dma_start3A_384 = tpu.memref_squeeze %dma_start3A_383 : memref<1x32xi32, #tpu.memory_space<hbm>> -> memref<32xi32, #tpu.memory_space<hbm>>
      %dma_start3A_385 = arith.constant 0 : i32
      %dma_start3A_386 = tpu.memref_slice %arg5[%run_scoped3A_7, %dma_start3A_385] : memref<5x32xi32, #tpu.memory_space<vmem>> -> memref<1x32xi32, #tpu.memory_space<vmem>>
      %dma_start3A_387 = tpu.memref_squeeze %dma_start3A_386 : memref<1x32xi32, #tpu.memory_space<vmem>> -> memref<32xi32, #tpu.memory_space<vmem>>
      %dma_start3A_388 = tpu.memref_slice %arg2[%run_scoped3A_6, %mul3A_2] : memref<8x1024xi32, #tpu.memory_space<hbm>> -> memref<1x32xi32, #tpu.memory_space<hbm>>
      %dma_start3A_389 = tpu.memref_squeeze %dma_start3A_388 : memref<1x32xi32, #tpu.memory_space<hbm>> -> memref<32xi32, #tpu.memory_space<hbm>>
      tpu.enqueue_dma source(%dma_start3A_389 : memref<32xi32, #tpu.memory_space<hbm>>) target(%dma_start3A_387 : memref<32xi32, #tpu.memory_space<vmem>>) target_semaphore(%run_scoped3A_379 : memref<!tpu.dma_semaphore, #tpu.memory_space<semaphore_mem>>)
      %dma_wait3A_390 = arith.constant 0 : i32
      %dma_wait3A_391 = tpu.memref_slice %arg5[%run_scoped3A_7, %dma_wait3A_390] : memref<5x32xi32, #tpu.memory_space<vmem>> -> memref<1x32xi32, #tpu.memory_space<vmem>>
      %dma_wait3A_392 = tpu.memref_squeeze %dma_wait3A_391 : memref<1x32xi32, #tpu.memory_space<vmem>> -> memref<32xi32, #tpu.memory_space<vmem>>
      %dma_wait3A_393 = tpu.memref_slice %arg2[%run_scoped3A_6, %mul3A_2] : memref<8x1024xi32, #tpu.memory_space<hbm>> -> memref<1x32xi32, #tpu.memory_space<hbm>>
      %dma_wait3A_394 = tpu.memref_squeeze %dma_wait3A_393 : memref<1x32xi32, #tpu.memory_space<hbm>> -> memref<32xi32, #tpu.memory_space<hbm>>
      %dma_wait3A_395 = arith.constant 0 : i32
      %dma_wait3A_396 = tpu.memref_slice %arg5[%run_scoped3A_7, %dma_wait3A_395] : memref<5x32xi32, #tpu.memory_space<vmem>> -> memref<1x32xi32, #tpu.memory_space<vmem>>
      %dma_wait3A_397 = tpu.memref_squeeze %dma_wait3A_396 : memref<1x32xi32, #tpu.memory_space<vmem>> -> memref<32xi32, #tpu.memory_space<vmem>>
      %dma_wait3A_398 = tpu.memref_slice %arg2[%run_scoped3A_6, %mul3A_2] : memref<8x1024xi32, #tpu.memory_space<hbm>> -> memref<1x32xi32, #tpu.memory_space<hbm>>
      %dma_wait3A_399 = tpu.memref_squeeze %dma_wait3A_398 : memref<1x32xi32, #tpu.memory_space<hbm>> -> memref<32xi32, #tpu.memory_space<hbm>>
      tpu.wait_dma2 semaphore(%run_scoped3A_379 : memref<!tpu.dma_semaphore, #tpu.memory_space<semaphore_mem>>) src(%dma_wait3A_399 : memref<32xi32, #tpu.memory_space<hbm>>) dst(%dma_wait3A_397 : memref<32xi32, #tpu.memory_space<vmem>>)
      tpu.yield
    }) : () -> ()
    %run_scoped3A_8 = arith.constant 3 : i32
    %run_scoped3A_9 = arith.constant 3 : i32
    "tpu.region"() ({
      %run_scoped3A_379 = tpu.sem_alloc : memref<!tpu.dma_semaphore, #tpu.memory_space<semaphore_mem>>
      %dma_start3A_380 = arith.constant 0 : i32
      %dma_start3A_381 = tpu.memref_slice %arg5[%run_scoped3A_9, %dma_start3A_380] : memref<5x32xi32, #tpu.memory_space<vmem>> -> memref<1x32xi32, #tpu.memory_space<vmem>>
      %dma_start3A_382 = tpu.memref_squeeze %dma_start3A_381 : memref<1x32xi32, #tpu.memory_space<vmem>> -> memref<32xi32, #tpu.memory_space<vmem>>
      %dma_start3A_383 = tpu.memref_slice %arg2[%run_scoped3A_8, %mul3A_2] : memref<8x1024xi32, #tpu.memory_space<hbm>> -> memref<1x32xi32, #tpu.memory_space<hbm>>
      %dma_start3A_384 = tpu.memref_squeeze %dma_start3A_383 : memref<1x32xi32, #tpu.memory_space<hbm>> -> memref<32xi32, #tpu.memory_space<hbm>>
      %dma_start3A_385 = arith.constant 0 : i32
      %dma_start3A_386 = tpu.memref_slice %arg5[%run_scoped3A_9, %dma_start3A_385] : memref<5x32xi32, #tpu.memory_space<vmem>> -> memref<1x32xi32, #tpu.memory_space<vmem>>
      %dma_start3A_387 = tpu.memref_squeeze %dma_start3A_386 : memref<1x32xi32, #tpu.memory_space<vmem>> -> memref<32xi32, #tpu.memory_space<vmem>>
      %dma_start3A_388 = tpu.memref_slice %arg2[%run_scoped3A_8, %mul3A_2] : memref<8x1024xi32, #tpu.memory_space<hbm>> -> memref<1x32xi32, #tpu.memory_space<hbm>>
      %dma_start3A_389 = tpu.memref_squeeze %dma_start3A_388 : memref<1x32xi32, #tpu.memory_space<hbm>> -> memref<32xi32, #tpu.memory_space<hbm>>
      tpu.enqueue_dma source(%dma_start3A_389 : memref<32xi32, #tpu.memory_space<hbm>>) target(%dma_start3A_387 : memref<32xi32, #tpu.memory_space<vmem>>) target_semaphore(%run_scoped3A_379 : memref<!tpu.dma_semaphore, #tpu.memory_space<semaphore_mem>>)
      %dma_wait3A_390 = arith.constant 0 : i32
      %dma_wait3A_391 = tpu.memref_slice %arg5[%run_scoped3A_9, %dma_wait3A_390] : memref<5x32xi32, #tpu.memory_space<vmem>> -> memref<1x32xi32, #tpu.memory_space<vmem>>
      %dma_wait3A_392 = tpu.memref_squeeze %dma_wait3A_391 : memref<1x32xi32, #tpu.memory_space<vmem>> -> memref<32xi32, #tpu.memory_space<vmem>>
      %dma_wait3A_393 = tpu.memref_slice %arg2[%run_scoped3A_8, %mul3A_2] : memref<8x1024xi32, #tpu.memory_space<hbm>> -> memref<1x32xi32, #tpu.memory_space<hbm>>
      %dma_wait3A_394 = tpu.memref_squeeze %dma_wait3A_393 : memref<1x32xi32, #tpu.memory_space<hbm>> -> memref<32xi32, #tpu.memory_space<hbm>>
      %dma_wait3A_395 = arith.constant 0 : i32
      %dma_wait3A_396 = tpu.memref_slice %arg5[%run_scoped3A_9, %dma_wait3A_395] : memref<5x32xi32, #tpu.memory_space<vmem>> -> memref<1x32xi32, #tpu.memory_space<vmem>>
      %dma_wait3A_397 = tpu.memref_squeeze %dma_wait3A_396 : memref<1x32xi32, #tpu.memory_space<vmem>> -> memref<32xi32, #tpu.memory_space<vmem>>
      %dma_wait3A_398 = tpu.memref_slice %arg2[%run_scoped3A_8, %mul3A_2] : memref<8x1024xi32, #tpu.memory_space<hbm>> -> memref<1x32xi32, #tpu.memory_space<hbm>>
      %dma_wait3A_399 = tpu.memref_squeeze %dma_wait3A_398 : memref<1x32xi32, #tpu.memory_space<hbm>> -> memref<32xi32, #tpu.memory_space<hbm>>
      tpu.wait_dma2 semaphore(%run_scoped3A_379 : memref<!tpu.dma_semaphore, #tpu.memory_space<semaphore_mem>>) src(%dma_wait3A_399 : memref<32xi32, #tpu.memory_space<hbm>>) dst(%dma_wait3A_397 : memref<32xi32, #tpu.memory_space<vmem>>)
      tpu.yield
    }) : () -> ()
    %run_scoped3A_10 = arith.constant 4 : i32
    %run_scoped3A_11 = arith.constant 4 : i32
    "tpu.region"() ({
      %run_scoped3A_379 = tpu.sem_alloc : memref<!tpu.dma_semaphore, #tpu.memory_space<semaphore_mem>>
      %dma_start3A_380 = arith.constant 0 : i32
      %dma_start3A_381 = tpu.memref_slice %arg5[%run_scoped3A_11, %dma_start3A_380] : memref<5x32xi32, #tpu.memory_space<vmem>> -> memref<1x32xi32, #tpu.memory_space<vmem>>
      %dma_start3A_382 = tpu.memref_squeeze %dma_start3A_381 : memref<1x32xi32, #tpu.memory_space<vmem>> -> memref<32xi32, #tpu.memory_space<vmem>>
      %dma_start3A_383 = tpu.memref_slice %arg2[%run_scoped3A_10, %mul3A_2] : memref<8x1024xi32, #tpu.memory_space<hbm>> -> memref<1x32xi32, #tpu.memory_space<hbm>>
      %dma_start3A_384 = tpu.memref_squeeze %dma_start3A_383 : memref<1x32xi32, #tpu.memory_space<hbm>> -> memref<32xi32, #tpu.memory_space<hbm>>
      %dma_start3A_385 = arith.constant 0 : i32
      %dma_start3A_386 = tpu.memref_slice %arg5[%run_scoped3A_11, %dma_start3A_385] : memref<5x32xi32, #tpu.memory_space<vmem>> -> memref<1x32xi32, #tpu.memory_space<vmem>>
      %dma_start3A_387 = tpu.memref_squeeze %dma_start3A_386 : memref<1x32xi32, #tpu.memory_space<vmem>> -> memref<32xi32, #tpu.memory_space<vmem>>
      %dma_start3A_388 = tpu.memref_slice %arg2[%run_scoped3A_10, %mul3A_2] : memref<8x1024xi32, #tpu.memory_space<hbm>> -> memref<1x32xi32, #tpu.memory_space<hbm>>
      %dma_start3A_389 = tpu.memref_squeeze %dma_start3A_388 : memref<1x32xi32, #tpu.memory_space<hbm>> -> memref<32xi32, #tpu.memory_space<hbm>>
      tpu.enqueue_dma source(%dma_start3A_389 : memref<32xi32, #tpu.memory_space<hbm>>) target(%dma_start3A_387 : memref<32xi32, #tpu.memory_space<vmem>>) target_semaphore(%run_scoped3A_379 : memref<!tpu.dma_semaphore, #tpu.memory_space<semaphore_mem>>)
      %dma_wait3A_390 = arith.constant 0 : i32
      %dma_wait3A_391 = tpu.memref_slice %arg5[%run_scoped3A_11, %dma_wait3A_390] : memref<5x32xi32, #tpu.memory_space<vmem>> -> memref<1x32xi32, #tpu.memory_space<vmem>>
      %dma_wait3A_392 = tpu.memref_squeeze %dma_wait3A_391 : memref<1x32xi32, #tpu.memory_space<vmem>> -> memref<32xi32, #tpu.memory_space<vmem>>
      %dma_wait3A_393 = tpu.memref_slice %arg2[%run_scoped3A_10, %mul3A_2] : memref<8x1024xi32, #tpu.memory_space<hbm>> -> memref<1x32xi32, #tpu.memory_space<hbm>>
      %dma_wait3A_394 = tpu.memref_squeeze %dma_wait3A_393 : memref<1x32xi32, #tpu.memory_space<hbm>> -> memref<32xi32, #tpu.memory_space<hbm>>
      %dma_wait3A_395 = arith.constant 0 : i32
      %dma_wait3A_396 = tpu.memref_slice %arg5[%run_scoped3A_11, %dma_wait3A_395] : memref<5x32xi32, #tpu.memory_space<vmem>> -> memref<1x32xi32, #tpu.memory_space<vmem>>
      %dma_wait3A_397 = tpu.memref_squeeze %dma_wait3A_396 : memref<1x32xi32, #tpu.memory_space<vmem>> -> memref<32xi32, #tpu.memory_space<vmem>>
      %dma_wait3A_398 = tpu.memref_slice %arg2[%run_scoped3A_10, %mul3A_2] : memref<8x1024xi32, #tpu.memory_space<hbm>> -> memref<1x32xi32, #tpu.memory_space<hbm>>
      %dma_wait3A_399 = tpu.memref_squeeze %dma_wait3A_398 : memref<1x32xi32, #tpu.memory_space<hbm>> -> memref<32xi32, #tpu.memory_space<hbm>>
      tpu.wait_dma2 semaphore(%run_scoped3A_379 : memref<!tpu.dma_semaphore, #tpu.memory_space<semaphore_mem>>) src(%dma_wait3A_399 : memref<32xi32, #tpu.memory_space<hbm>>) dst(%dma_wait3A_397 : memref<32xi32, #tpu.memory_space<vmem>>)
      tpu.yield
    }) : () -> ()
    %dma_start3A = arith.constant 0 : i32
    %dma_start3A_12 = arith.constant 0 : i32
    %dma_start3A_13 = arith.constant 0 : i32
    %dma_start3A_14 = tpu.memref_slice %arg6[%dma_start3A_12, %dma_start3A_13] : memref<5x32xi32, #tpu.memory_space<vmem>> -> memref<1x32xi32, #tpu.memory_space<vmem>>
    %dma_start3A_15 = tpu.memref_squeeze %dma_start3A_14 : memref<1x32xi32, #tpu.memory_space<vmem>> -> memref<32xi32, #tpu.memory_space<vmem>>
    %dma_start3A_16 = arith.constant 0 : i32
    %dma_start3A_17 = tpu.memref_slice %arg5[%dma_start3A, %dma_start3A_16] : memref<5x32xi32, #tpu.memory_space<vmem>> -> memref<1x32xi32, #tpu.memory_space<vmem>>
    %dma_start3A_18 = tpu.memref_squeeze %dma_start3A_17 : memref<1x32xi32, #tpu.memory_space<vmem>> -> memref<32xi32, #tpu.memory_space<vmem>>
    %dma_start3A_19 = arith.constant 0 : i32
    %dma_start3A_20 = tpu.memref_slice %arg3[%dma_start3A_19] : memref<100000xi32, #tpu.memory_space<hbm>> -> memref<100000xi32, #tpu.memory_space<hbm>>
    tpu.enqueue_indirect_dma source(%dma_start3A_20 : memref<100000xi32, #tpu.memory_space<hbm>>) target(%dma_start3A_15 : memref<32xi32, #tpu.memory_space<vmem>>) offsets(%dma_start3A_18 : memref<32xi32, #tpu.memory_space<vmem>>) semaphore(%arg8 : memref<!tpu.dma_semaphore, #tpu.memory_space<semaphore_mem>>)
    %dma_start3A_21 = arith.constant 1 : i32
    %dma_start3A_22 = arith.constant 1 : i32
    %dma_start3A_23 = arith.constant 0 : i32
    %dma_start3A_24 = tpu.memref_slice %arg6[%dma_start3A_22, %dma_start3A_23] : memref<5x32xi32, #tpu.memory_space<vmem>> -> memref<1x32xi32, #tpu.memory_space<vmem>>
    %dma_start3A_25 = tpu.memref_squeeze %dma_start3A_24 : memref<1x32xi32, #tpu.memory_space<vmem>> -> memref<32xi32, #tpu.memory_space<vmem>>
    %dma_start3A_26 = arith.constant 0 : i32
    %dma_start3A_27 = tpu.memref_slice %arg5[%dma_start3A_21, %dma_start3A_26] : memref<5x32xi32, #tpu.memory_space<vmem>> -> memref<1x32xi32, #tpu.memory_space<vmem>>
    %dma_start3A_28 = tpu.memref_squeeze %dma_start3A_27 : memref<1x32xi32, #tpu.memory_space<vmem>> -> memref<32xi32, #tpu.memory_space<vmem>>
    %dma_start3A_29 = arith.constant 0 : i32
    %dma_start3A_30 = tpu.memref_slice %arg3[%dma_start3A_29] : memref<100000xi32, #tpu.memory_space<hbm>> -> memref<100000xi32, #tpu.memory_space<hbm>>
    tpu.enqueue_indirect_dma source(%dma_start3A_30 : memref<100000xi32, #tpu.memory_space<hbm>>) target(%dma_start3A_25 : memref<32xi32, #tpu.memory_space<vmem>>) offsets(%dma_start3A_28 : memref<32xi32, #tpu.memory_space<vmem>>) semaphore(%arg8 : memref<!tpu.dma_semaphore, #tpu.memory_space<semaphore_mem>>)
    %dma_start3A_31 = arith.constant 2 : i32
    %dma_start3A_32 = arith.constant 2 : i32
    %dma_start3A_33 = arith.constant 0 : i32
    %dma_start3A_34 = tpu.memref_slice %arg6[%dma_start3A_32, %dma_start3A_33] : memref<5x32xi32, #tpu.memory_space<vmem>> -> memref<1x32xi32, #tpu.memory_space<vmem>>
    %dma_start3A_35 = tpu.memref_squeeze %dma_start3A_34 : memref<1x32xi32, #tpu.memory_space<vmem>> -> memref<32xi32, #tpu.memory_space<vmem>>
    %dma_start3A_36 = arith.constant 0 : i32
    %dma_start3A_37 = tpu.memref_slice %arg5[%dma_start3A_31, %dma_start3A_36] : memref<5x32xi32, #tpu.memory_space<vmem>> -> memref<1x32xi32, #tpu.memory_space<vmem>>
    %dma_start3A_38 = tpu.memref_squeeze %dma_start3A_37 : memref<1x32xi32, #tpu.memory_space<vmem>> -> memref<32xi32, #tpu.memory_space<vmem>>
    %dma_start3A_39 = arith.constant 0 : i32
    %dma_start3A_40 = tpu.memref_slice %arg3[%dma_start3A_39] : memref<100000xi32, #tpu.memory_space<hbm>> -> memref<100000xi32, #tpu.memory_space<hbm>>
    tpu.enqueue_indirect_dma source(%dma_start3A_40 : memref<100000xi32, #tpu.memory_space<hbm>>) target(%dma_start3A_35 : memref<32xi32, #tpu.memory_space<vmem>>) offsets(%dma_start3A_38 : memref<32xi32, #tpu.memory_space<vmem>>) semaphore(%arg8 : memref<!tpu.dma_semaphore, #tpu.memory_space<semaphore_mem>>)
    %dma_start3A_41 = arith.constant 3 : i32
    %dma_start3A_42 = arith.constant 3 : i32
    %dma_start3A_43 = arith.constant 0 : i32
    %dma_start3A_44 = tpu.memref_slice %arg6[%dma_start3A_42, %dma_start3A_43] : memref<5x32xi32, #tpu.memory_space<vmem>> -> memref<1x32xi32, #tpu.memory_space<vmem>>
    %dma_start3A_45 = tpu.memref_squeeze %dma_start3A_44 : memref<1x32xi32, #tpu.memory_space<vmem>> -> memref<32xi32, #tpu.memory_space<vmem>>
    %dma_start3A_46 = arith.constant 0 : i32
    %dma_start3A_47 = tpu.memref_slice %arg5[%dma_start3A_41, %dma_start3A_46] : memref<5x32xi32, #tpu.memory_space<vmem>> -> memref<1x32xi32, #tpu.memory_space<vmem>>
    %dma_start3A_48 = tpu.memref_squeeze %dma_start3A_47 : memref<1x32xi32, #tpu.memory_space<vmem>> -> memref<32xi32, #tpu.memory_space<vmem>>
    %dma_start3A_49 = arith.constant 0 : i32
    %dma_start3A_50 = tpu.memref_slice %arg3[%dma_start3A_49] : memref<100000xi32, #tpu.memory_space<hbm>> -> memref<100000xi32, #tpu.memory_space<hbm>>
    tpu.enqueue_indirect_dma source(%dma_start3A_50 : memref<100000xi32, #tpu.memory_space<hbm>>) target(%dma_start3A_45 : memref<32xi32, #tpu.memory_space<vmem>>) offsets(%dma_start3A_48 : memref<32xi32, #tpu.memory_space<vmem>>) semaphore(%arg8 : memref<!tpu.dma_semaphore, #tpu.memory_space<semaphore_mem>>)
    %dma_start3A_51 = arith.constant 4 : i32
    %dma_start3A_52 = arith.constant 4 : i32
    %dma_start3A_53 = arith.constant 0 : i32
    %dma_start3A_54 = tpu.memref_slice %arg6[%dma_start3A_52, %dma_start3A_53] : memref<5x32xi32, #tpu.memory_space<vmem>> -> memref<1x32xi32, #tpu.memory_space<vmem>>
    %dma_start3A_55 = tpu.memref_squeeze %dma_start3A_54 : memref<1x32xi32, #tpu.memory_space<vmem>> -> memref<32xi32, #tpu.memory_space<vmem>>
    %dma_start3A_56 = arith.constant 0 : i32
    %dma_start3A_57 = tpu.memref_slice %arg5[%dma_start3A_51, %dma_start3A_56] : memref<5x32xi32, #tpu.memory_space<vmem>> -> memref<1x32xi32, #tpu.memory_space<vmem>>
    %dma_start3A_58 = tpu.memref_squeeze %dma_start3A_57 : memref<1x32xi32, #tpu.memory_space<vmem>> -> memref<32xi32, #tpu.memory_space<vmem>>
    %dma_start3A_59 = arith.constant 0 : i32
    %dma_start3A_60 = tpu.memref_slice %arg3[%dma_start3A_59] : memref<100000xi32, #tpu.memory_space<hbm>> -> memref<100000xi32, #tpu.memory_space<hbm>>
    tpu.enqueue_indirect_dma source(%dma_start3A_60 : memref<100000xi32, #tpu.memory_space<hbm>>) target(%dma_start3A_55 : memref<32xi32, #tpu.memory_space<vmem>>) offsets(%dma_start3A_58 : memref<32xi32, #tpu.memory_space<vmem>>) semaphore(%arg8 : memref<!tpu.dma_semaphore, #tpu.memory_space<semaphore_mem>>)
    %dma_wait3A = arith.constant 0 : i32
    %dma_wait3A_61 = arith.constant 0 : i32
    %dma_wait3A_62 = arith.constant 0 : i32
    %dma_wait3A_63 = tpu.memref_slice %arg6[%dma_wait3A_61, %dma_wait3A_62] : memref<5x32xi32, #tpu.memory_space<vmem>> -> memref<1x32xi32, #tpu.memory_space<vmem>>
    %dma_wait3A_64 = tpu.memref_squeeze %dma_wait3A_63 : memref<1x32xi32, #tpu.memory_space<vmem>> -> memref<32xi32, #tpu.memory_space<vmem>>
    %dma_wait3A_65 = arith.constant 0 : i32
    %dma_wait3A_66 = tpu.memref_slice %arg5[%dma_wait3A, %dma_wait3A_65] : memref<5x32xi32, #tpu.memory_space<vmem>> -> memref<1x32xi32, #tpu.memory_space<vmem>>
    %dma_wait3A_67 = tpu.memref_squeeze %dma_wait3A_66 : memref<1x32xi32, #tpu.memory_space<vmem>> -> memref<32xi32, #tpu.memory_space<vmem>>
    %dma_wait3A_68 = arith.constant 0 : i32
    %dma_wait3A_69 = tpu.memref_slice %arg3[%dma_wait3A_68] : memref<100000xi32, #tpu.memory_space<hbm>> -> memref<100000xi32, #tpu.memory_space<hbm>>
    tpu.wait_indirect_dma semaphore(%arg8 : memref<!tpu.dma_semaphore, #tpu.memory_space<semaphore_mem>>) src(%dma_wait3A_69 : memref<100000xi32, #tpu.memory_space<hbm>>) dst(%dma_wait3A_64 : memref<32xi32, #tpu.memory_space<vmem>>)
    %dma_wait3A_70 = arith.constant 1 : i32
    %dma_wait3A_71 = arith.constant 1 : i32
    %dma_wait3A_72 = arith.constant 0 : i32
    %dma_wait3A_73 = tpu.memref_slice %arg6[%dma_wait3A_71, %dma_wait3A_72] : memref<5x32xi32, #tpu.memory_space<vmem>> -> memref<1x32xi32, #tpu.memory_space<vmem>>
    %dma_wait3A_74 = tpu.memref_squeeze %dma_wait3A_73 : memref<1x32xi32, #tpu.memory_space<vmem>> -> memref<32xi32, #tpu.memory_space<vmem>>
    %dma_wait3A_75 = arith.constant 0 : i32
    %dma_wait3A_76 = tpu.memref_slice %arg5[%dma_wait3A_70, %dma_wait3A_75] : memref<5x32xi32, #tpu.memory_space<vmem>> -> memref<1x32xi32, #tpu.memory_space<vmem>>
    %dma_wait3A_77 = tpu.memref_squeeze %dma_wait3A_76 : memref<1x32xi32, #tpu.memory_space<vmem>> -> memref<32xi32, #tpu.memory_space<vmem>>
    %dma_wait3A_78 = arith.constant 0 : i32
    %dma_wait3A_79 = tpu.memref_slice %arg3[%dma_wait3A_78] : memref<100000xi32, #tpu.memory_space<hbm>> -> memref<100000xi32, #tpu.memory_space<hbm>>
    tpu.wait_indirect_dma semaphore(%arg8 : memref<!tpu.dma_semaphore, #tpu.memory_space<semaphore_mem>>) src(%dma_wait3A_79 : memref<100000xi32, #tpu.memory_space<hbm>>) dst(%dma_wait3A_74 : memref<32xi32, #tpu.memory_space<vmem>>)
    %dma_wait3A_80 = arith.constant 2 : i32
    %dma_wait3A_81 = arith.constant 2 : i32
    %dma_wait3A_82 = arith.constant 0 : i32
    %dma_wait3A_83 = tpu.memref_slice %arg6[%dma_wait3A_81, %dma_wait3A_82] : memref<5x32xi32, #tpu.memory_space<vmem>> -> memref<1x32xi32, #tpu.memory_space<vmem>>
    %dma_wait3A_84 = tpu.memref_squeeze %dma_wait3A_83 : memref<1x32xi32, #tpu.memory_space<vmem>> -> memref<32xi32, #tpu.memory_space<vmem>>
    %dma_wait3A_85 = arith.constant 0 : i32
    %dma_wait3A_86 = tpu.memref_slice %arg5[%dma_wait3A_80, %dma_wait3A_85] : memref<5x32xi32, #tpu.memory_space<vmem>> -> memref<1x32xi32, #tpu.memory_space<vmem>>
    %dma_wait3A_87 = tpu.memref_squeeze %dma_wait3A_86 : memref<1x32xi32, #tpu.memory_space<vmem>> -> memref<32xi32, #tpu.memory_space<vmem>>
    %dma_wait3A_88 = arith.constant 0 : i32
    %dma_wait3A_89 = tpu.memref_slice %arg3[%dma_wait3A_88] : memref<100000xi32, #tpu.memory_space<hbm>> -> memref<100000xi32, #tpu.memory_space<hbm>>
    tpu.wait_indirect_dma semaphore(%arg8 : memref<!tpu.dma_semaphore, #tpu.memory_space<semaphore_mem>>) src(%dma_wait3A_89 : memref<100000xi32, #tpu.memory_space<hbm>>) dst(%dma_wait3A_84 : memref<32xi32, #tpu.memory_space<vmem>>)
    %dma_wait3A_90 = arith.constant 3 : i32
    %dma_wait3A_91 = arith.constant 3 : i32
    %dma_wait3A_92 = arith.constant 0 : i32
    %dma_wait3A_93 = tpu.memref_slice %arg6[%dma_wait3A_91, %dma_wait3A_92] : memref<5x32xi32, #tpu.memory_space<vmem>> -> memref<1x32xi32, #tpu.memory_space<vmem>>
    %dma_wait3A_94 = tpu.memref_squeeze %dma_wait3A_93 : memref<1x32xi32, #tpu.memory_space<vmem>> -> memref<32xi32, #tpu.memory_space<vmem>>
    %dma_wait3A_95 = arith.constant 0 : i32
    %dma_wait3A_96 = tpu.memref_slice %arg5[%dma_wait3A_90, %dma_wait3A_95] : memref<5x32xi32, #tpu.memory_space<vmem>> -> memref<1x32xi32, #tpu.memory_space<vmem>>
    %dma_wait3A_97 = tpu.memref_squeeze %dma_wait3A_96 : memref<1x32xi32, #tpu.memory_space<vmem>> -> memref<32xi32, #tpu.memory_space<vmem>>
    %dma_wait3A_98 = arith.constant 0 : i32
    %dma_wait3A_99 = tpu.memref_slice %arg3[%dma_wait3A_98] : memref<100000xi32, #tpu.memory_space<hbm>> -> memref<100000xi32, #tpu.memory_space<hbm>>
    tpu.wait_indirect_dma semaphore(%arg8 : memref<!tpu.dma_semaphore, #tpu.memory_space<semaphore_mem>>) src(%dma_wait3A_99 : memref<100000xi32, #tpu.memory_space<hbm>>) dst(%dma_wait3A_94 : memref<32xi32, #tpu.memory_space<vmem>>)
    %dma_wait3A_100 = arith.constant 4 : i32
    %dma_wait3A_101 = arith.constant 4 : i32
    %dma_wait3A_102 = arith.constant 0 : i32
    %dma_wait3A_103 = tpu.memref_slice %arg6[%dma_wait3A_101, %dma_wait3A_102] : memref<5x32xi32, #tpu.memory_space<vmem>> -> memref<1x32xi32, #tpu.memory_space<vmem>>
    %dma_wait3A_104 = tpu.memref_squeeze %dma_wait3A_103 : memref<1x32xi32, #tpu.memory_space<vmem>> -> memref<32xi32, #tpu.memory_space<vmem>>
    %dma_wait3A_105 = arith.constant 0 : i32
    %dma_wait3A_106 = tpu.memref_slice %arg5[%dma_wait3A_100, %dma_wait3A_105] : memref<5x32xi32, #tpu.memory_space<vmem>> -> memref<1x32xi32, #tpu.memory_space<vmem>>
    %dma_wait3A_107 = tpu.memref_squeeze %dma_wait3A_106 : memref<1x32xi32, #tpu.memory_space<vmem>> -> memref<32xi32, #tpu.memory_space<vmem>>
    %dma_wait3A_108 = arith.constant 0 : i32
    %dma_wait3A_109 = tpu.memref_slice %arg3[%dma_wait3A_108] : memref<100000xi32, #tpu.memory_space<hbm>> -> memref<100000xi32, #tpu.memory_space<hbm>>
    tpu.wait_indirect_dma semaphore(%arg8 : memref<!tpu.dma_semaphore, #tpu.memory_space<semaphore_mem>>) src(%dma_wait3A_109 : memref<100000xi32, #tpu.memory_space<hbm>>) dst(%dma_wait3A_104 : memref<32xi32, #tpu.memory_space<vmem>>)
    %broadcast_in_dim3A = arith.constant 1 : i32
    %broadcast_in_dim3A_110 = vector.broadcast %broadcast_in_dim3A : i32 to vector<16xi32>
    %broadcast_in_dim3A_111 = arith.constant 0 : i32
    %broadcast_in_dim3A_112 = vector.broadcast %broadcast_in_dim3A_111 : i32 to vector<16xi32>
    %get3A = arith.constant 0 : i32
    %get3A_113 = arith.index_cast %get3A : i32 to index
    %get3A_114 = arith.constant 0 : index
    %get3A_115 = tpu.vector_load %arg6[%get3A_113, %get3A_114] {strides = array<i32>} : memref<5x32xi32, #tpu.memory_space<vmem>>, vector<1x16xi32>,
    %get3A_116 = vector.shape_cast %get3A_115 : vector<1x16xi32> to vector<16xi32>
    %get3A_117 = arith.constant 1 : i32
    %get3A_118 = arith.index_cast %get3A_117 : i32 to index
    %get3A_119 = arith.constant 0 : index
    %get3A_120 = tpu.vector_load %arg6[%get3A_118, %get3A_119] {strides = array<i32>} : memref<5x32xi32, #tpu.memory_space<vmem>>, vector<1x16xi32>,
    %get3A_121 = vector.shape_cast %get3A_120 : vector<1x16xi32> to vector<16xi32>
    %get3A_122 = arith.constant 2 : i32
    %get3A_123 = arith.index_cast %get3A_122 : i32 to index
    %get3A_124 = arith.constant 0 : index
    %get3A_125 = tpu.vector_load %arg6[%get3A_123, %get3A_124] {strides = array<i32>} : memref<5x32xi32, #tpu.memory_space<vmem>>, vector<1x16xi32>,
    %get3A_126 = vector.shape_cast %get3A_125 : vector<1x16xi32> to vector<16xi32>
    %get3A_127 = arith.constant 3 : i32
    %get3A_128 = arith.index_cast %get3A_127 : i32 to index
    %get3A_129 = arith.constant 0 : index
    %get3A_130 = tpu.vector_load %arg6[%get3A_128, %get3A_129] {strides = array<i32>} : memref<5x32xi32, #tpu.memory_space<vmem>>, vector<1x16xi32>,
    %get3A_131 = vector.shape_cast %get3A_130 : vector<1x16xi32> to vector<16xi32>
    %get3A_132 = arith.constant 4 : i32
    %get3A_133 = arith.index_cast %get3A_132 : i32 to index
    %get3A_134 = arith.constant 0 : index
    %get3A_135 = tpu.vector_load %arg6[%get3A_133, %get3A_134] {strides = array<i32>} : memref<5x32xi32, #tpu.memory_space<vmem>>, vector<1x16xi32>,
    %get3A_136 = vector.shape_cast %get3A_135 : vector<1x16xi32> to vector<16xi32>
    %eq3A = arith.cmpi eq, %get3A_116, %get3A_116 : vector<16xi32>
    %select_n3A = arith.select %eq3A, %broadcast_in_dim3A_110, %broadcast_in_dim3A_112 : vector<16xi1>, vector<16xi32>
    %add3A_137 = arith.addi %broadcast_in_dim3A_112, %select_n3A : vector<16xi32>
    %eq3A_138 = arith.cmpi eq, %get3A_116, %get3A_121 : vector<16xi32>
    %select_n3A_139 = arith.select %eq3A_138, %broadcast_in_dim3A_110, %broadcast_in_dim3A_112 : vector<16xi1>, vector<16xi32>
    %add3A_140 = arith.addi %add3A_137, %select_n3A_139 : vector<16xi32>
    %eq3A_141 = arith.cmpi eq, %get3A_116, %get3A_126 : vector<16xi32>
    %select_n3A_142 = arith.select %eq3A_141, %broadcast_in_dim3A_110, %broadcast_in_dim3A_112 : vector<16xi1>, vector<16xi32>
    %add3A_143 = arith.addi %add3A_140, %select_n3A_142 : vector<16xi32>
    %eq3A_144 = arith.cmpi eq, %get3A_116, %get3A_131 : vector<16xi32>
    %select_n3A_145 = arith.select %eq3A_144, %broadcast_in_dim3A_110, %broadcast_in_dim3A_112 : vector<16xi1>, vector<16xi32>
    %add3A_146 = arith.addi %add3A_143, %select_n3A_145 : vector<16xi32>
    %eq3A_147 = arith.cmpi eq, %get3A_116, %get3A_136 : vector<16xi32>
    %select_n3A_148 = arith.select %eq3A_147, %broadcast_in_dim3A_110, %broadcast_in_dim3A_112 : vector<16xi1>, vector<16xi32>
    %add3A_149 = arith.addi %add3A_146, %select_n3A_148 : vector<16xi32>
    %mul3A_150 = arith.constant 1000 : i32
    %mul3A_151 = vector.broadcast %mul3A_150 : i32 to vector<16xi32>
    %mul3A_152 = arith.muli %add3A_149, %mul3A_151 : vector<16xi32>
    %sub3A = arith.subi %mul3A_152, %get3A_116 : vector<16xi32>
    %eq3A_153 = arith.cmpi eq, %get3A_121, %get3A_116 : vector<16xi32>
    %select_n3A_154 = arith.select %eq3A_153, %broadcast_in_dim3A_110, %broadcast_in_dim3A_112 : vector<16xi1>, vector<16xi32>
    %add3A_155 = arith.addi %broadcast_in_dim3A_112, %select_n3A_154 : vector<16xi32>
    %eq3A_156 = arith.cmpi eq, %get3A_121, %get3A_121 : vector<16xi32>
    %select_n3A_157 = arith.select %eq3A_156, %broadcast_in_dim3A_110, %broadcast_in_dim3A_112 : vector<16xi1>, vector<16xi32>
    %add3A_158 = arith.addi %add3A_155, %select_n3A_157 : vector<16xi32>
    %eq3A_159 = arith.cmpi eq, %get3A_121, %get3A_126 : vector<16xi32>
    %select_n3A_160 = arith.select %eq3A_159, %broadcast_in_dim3A_110, %broadcast_in_dim3A_112 : vector<16xi1>, vector<16xi32>
    %add3A_161 = arith.addi %add3A_158, %select_n3A_160 : vector<16xi32>
    %eq3A_162 = arith.cmpi eq, %get3A_121, %get3A_131 : vector<16xi32>
    %select_n3A_163 = arith.select %eq3A_162, %broadcast_in_dim3A_110, %broadcast_in_dim3A_112 : vector<16xi1>, vector<16xi32>
    %add3A_164 = arith.addi %add3A_161, %select_n3A_163 : vector<16xi32>
    %eq3A_165 = arith.cmpi eq, %get3A_121, %get3A_136 : vector<16xi32>
    %select_n3A_166 = arith.select %eq3A_165, %broadcast_in_dim3A_110, %broadcast_in_dim3A_112 : vector<16xi1>, vector<16xi32>
    %add3A_167 = arith.addi %add3A_164, %select_n3A_166 : vector<16xi32>
    %mul3A_168 = arith.constant 1000 : i32
    %mul3A_169 = vector.broadcast %mul3A_168 : i32 to vector<16xi32>
    %mul3A_170 = arith.muli %add3A_167, %mul3A_169 : vector<16xi32>
    %sub3A_171 = arith.subi %mul3A_170, %get3A_121 : vector<16xi32>
    %gt3A = arith.cmpi sgt, %sub3A_171, %sub3A : vector<16xi32>
    %select_n3A_172 = arith.select %gt3A, %get3A_121, %get3A_116 : vector<16xi1>, vector<16xi32>
    %select_n3A_173 = arith.select %gt3A, %sub3A_171, %sub3A : vector<16xi1>, vector<16xi32>
    %eq3A_174 = arith.cmpi eq, %get3A_126, %get3A_116 : vector<16xi32>
    %select_n3A_175 = arith.select %eq3A_174, %broadcast_in_dim3A_110, %broadcast_in_dim3A_112 : vector<16xi1>, vector<16xi32>
    %add3A_176 = arith.addi %broadcast_in_dim3A_112, %select_n3A_175 : vector<16xi32>
    %eq3A_177 = arith.cmpi eq, %get3A_126, %get3A_121 : vector<16xi32>
    %select_n3A_178 = arith.select %eq3A_177, %broadcast_in_dim3A_110, %broadcast_in_dim3A_112 : vector<16xi1>, vector<16xi32>
    %add3A_179 = arith.addi %add3A_176, %select_n3A_178 : vector<16xi32>
    %eq3A_180 = arith.cmpi eq, %get3A_126, %get3A_126 : vector<16xi32>
    %select_n3A_181 = arith.select %eq3A_180, %broadcast_in_dim3A_110, %broadcast_in_dim3A_112 : vector<16xi1>, vector<16xi32>
    %add3A_182 = arith.addi %add3A_179, %select_n3A_181 : vector<16xi32>
    %eq3A_183 = arith.cmpi eq, %get3A_126, %get3A_131 : vector<16xi32>
    %select_n3A_184 = arith.select %eq3A_183, %broadcast_in_dim3A_110, %broadcast_in_dim3A_112 : vector<16xi1>, vector<16xi32>
    %add3A_185 = arith.addi %add3A_182, %select_n3A_184 : vector<16xi32>
    %eq3A_186 = arith.cmpi eq, %get3A_126, %get3A_136 : vector<16xi32>
    %select_n3A_187 = arith.select %eq3A_186, %broadcast_in_dim3A_110, %broadcast_in_dim3A_112 : vector<16xi1>, vector<16xi32>
    %add3A_188 = arith.addi %add3A_185, %select_n3A_187 : vector<16xi32>
    %mul3A_189 = arith.constant 1000 : i32
    %mul3A_190 = vector.broadcast %mul3A_189 : i32 to vector<16xi32>
    %mul3A_191 = arith.muli %add3A_188, %mul3A_190 : vector<16xi32>
    %sub3A_192 = arith.subi %mul3A_191, %get3A_126 : vector<16xi32>
    %gt3A_193 = arith.cmpi sgt, %sub3A_192, %select_n3A_173 : vector<16xi32>
    %select_n3A_194 = arith.select %gt3A_193, %get3A_126, %select_n3A_172 : vector<16xi1>, vector<16xi32>
    %select_n3A_195 = arith.select %gt3A_193, %sub3A_192, %select_n3A_173 : vector<16xi1>, vector<16xi32>
    %eq3A_196 = arith.cmpi eq, %get3A_131, %get3A_116 : vector<16xi32>
    %select_n3A_197 = arith.select %eq3A_196, %broadcast_in_dim3A_110, %broadcast_in_dim3A_112 : vector<16xi1>, vector<16xi32>
    %add3A_198 = arith.addi %broadcast_in_dim3A_112, %select_n3A_197 : vector<16xi32>
    %eq3A_199 = arith.cmpi eq, %get3A_131, %get3A_121 : vector<16xi32>
    %select_n3A_200 = arith.select %eq3A_199, %broadcast_in_dim3A_110, %broadcast_in_dim3A_112 : vector<16xi1>, vector<16xi32>
    %add3A_201 = arith.addi %add3A_198, %select_n3A_200 : vector<16xi32>
    %eq3A_202 = arith.cmpi eq, %get3A_131, %get3A_126 : vector<16xi32>
    %select_n3A_203 = arith.select %eq3A_202, %broadcast_in_dim3A_110, %broadcast_in_dim3A_112 : vector<16xi1>, vector<16xi32>
    %add3A_204 = arith.addi %add3A_201, %select_n3A_203 : vector<16xi32>
    %eq3A_205 = arith.cmpi eq, %get3A_131, %get3A_131 : vector<16xi32>
    %select_n3A_206 = arith.select %eq3A_205, %broadcast_in_dim3A_110, %broadcast_in_dim3A_112 : vector<16xi1>, vector<16xi32>
    %add3A_207 = arith.addi %add3A_204, %select_n3A_206 : vector<16xi32>
    %eq3A_208 = arith.cmpi eq, %get3A_131, %get3A_136 : vector<16xi32>
    %select_n3A_209 = arith.select %eq3A_208, %broadcast_in_dim3A_110, %broadcast_in_dim3A_112 : vector<16xi1>, vector<16xi32>
    %add3A_210 = arith.addi %add3A_207, %select_n3A_209 : vector<16xi32>
    %mul3A_211 = arith.constant 1000 : i32
    %mul3A_212 = vector.broadcast %mul3A_211 : i32 to vector<16xi32>
    %mul3A_213 = arith.muli %add3A_210, %mul3A_212 : vector<16xi32>
    %sub3A_214 = arith.subi %mul3A_213, %get3A_131 : vector<16xi32>
    %gt3A_215 = arith.cmpi sgt, %sub3A_214, %select_n3A_195 : vector<16xi32>
    %select_n3A_216 = arith.select %gt3A_215, %get3A_131, %select_n3A_194 : vector<16xi1>, vector<16xi32>
    %select_n3A_217 = arith.select %gt3A_215, %sub3A_214, %select_n3A_195 : vector<16xi1>, vector<16xi32>
    %eq3A_218 = arith.cmpi eq, %get3A_136, %get3A_116 : vector<16xi32>
    %select_n3A_219 = arith.select %eq3A_218, %broadcast_in_dim3A_110, %broadcast_in_dim3A_112 : vector<16xi1>, vector<16xi32>
    %add3A_220 = arith.addi %broadcast_in_dim3A_112, %select_n3A_219 : vector<16xi32>
    %eq3A_221 = arith.cmpi eq, %get3A_136, %get3A_121 : vector<16xi32>
    %select_n3A_222 = arith.select %eq3A_221, %broadcast_in_dim3A_110, %broadcast_in_dim3A_112 : vector<16xi1>, vector<16xi32>
    %add3A_223 = arith.addi %add3A_220, %select_n3A_222 : vector<16xi32>
    %eq3A_224 = arith.cmpi eq, %get3A_136, %get3A_126 : vector<16xi32>
    %select_n3A_225 = arith.select %eq3A_224, %broadcast_in_dim3A_110, %broadcast_in_dim3A_112 : vector<16xi1>, vector<16xi32>
    %add3A_226 = arith.addi %add3A_223, %select_n3A_225 : vector<16xi32>
    %eq3A_227 = arith.cmpi eq, %get3A_136, %get3A_131 : vector<16xi32>
    %select_n3A_228 = arith.select %eq3A_227, %broadcast_in_dim3A_110, %broadcast_in_dim3A_112 : vector<16xi1>, vector<16xi32>
    %add3A_229 = arith.addi %add3A_226, %select_n3A_228 : vector<16xi32>
    %eq3A_230 = arith.cmpi eq, %get3A_136, %get3A_136 : vector<16xi32>
    %select_n3A_231 = arith.select %eq3A_230, %broadcast_in_dim3A_110, %broadcast_in_dim3A_112 : vector<16xi1>, vector<16xi32>
    %add3A_232 = arith.addi %add3A_229, %select_n3A_231 : vector<16xi32>
    %mul3A_233 = arith.constant 1000 : i32
    %mul3A_234 = vector.broadcast %mul3A_233 : i32 to vector<16xi32>
    %mul3A_235 = arith.muli %add3A_232, %mul3A_234 : vector<16xi32>
    %sub3A_236 = arith.subi %mul3A_235, %get3A_136 : vector<16xi32>
    %gt3A_237 = arith.cmpi sgt, %sub3A_236, %select_n3A_217 : vector<16xi32>
    %select_n3A_238 = arith.select %gt3A_237, %get3A_136, %select_n3A_216 : vector<16xi1>, vector<16xi32>
    %select_n3A_239 = arith.select %gt3A_237, %sub3A_236, %select_n3A_217 : vector<16xi1>, vector<16xi32>
    %swap3A = arith.constant 0 : index
    %swap3A_240 = tpu.vector_load %arg7[%swap3A] {strides = array<i32>} : memref<32xi32, #tpu.memory_space<vmem>>, vector<16xi32>,
    %swap3A_241 = vector.shape_cast %swap3A_240 : vector<16xi32> to vector<16xi32>
    %swap3A_242 = vector.shape_cast %select_n3A_238 : vector<16xi32> to vector<16xi32>
    tpu.vector_store %arg7[%swap3A], %swap3A_242 {strides = array<i32>} : memref<32xi32, #tpu.memory_space<vmem>>, vector<16xi32>,
    %get3A_243 = arith.constant 0 : i32
    %get3A_244 = arith.index_cast %get3A_243 : i32 to index
    %get3A_245 = arith.constant 16 : index
    %get3A_246 = tpu.vector_load %arg6[%get3A_244, %get3A_245] {strides = array<i32>} : memref<5x32xi32, #tpu.memory_space<vmem>>, vector<1x16xi32>,
    %get3A_247 = vector.shape_cast %get3A_246 : vector<1x16xi32> to vector<16xi32>
    %get3A_248 = arith.constant 1 : i32
    %get3A_249 = arith.index_cast %get3A_248 : i32 to index
    %get3A_250 = arith.constant 16 : index
    %get3A_251 = tpu.vector_load %arg6[%get3A_249, %get3A_250] {strides = array<i32>} : memref<5x32xi32, #tpu.memory_space<vmem>>, vector<1x16xi32>,
    %get3A_252 = vector.shape_cast %get3A_251 : vector<1x16xi32> to vector<16xi32>
    %get3A_253 = arith.constant 2 : i32
    %get3A_254 = arith.index_cast %get3A_253 : i32 to index
    %get3A_255 = arith.constant 16 : index
    %get3A_256 = tpu.vector_load %arg6[%get3A_254, %get3A_255] {strides = array<i32>} : memref<5x32xi32, #tpu.memory_space<vmem>>, vector<1x16xi32>,
    %get3A_257 = vector.shape_cast %get3A_256 : vector<1x16xi32> to vector<16xi32>
    %get3A_258 = arith.constant 3 : i32
    %get3A_259 = arith.index_cast %get3A_258 : i32 to index
    %get3A_260 = arith.constant 16 : index
    %get3A_261 = tpu.vector_load %arg6[%get3A_259, %get3A_260] {strides = array<i32>} : memref<5x32xi32, #tpu.memory_space<vmem>>, vector<1x16xi32>,
    %get3A_262 = vector.shape_cast %get3A_261 : vector<1x16xi32> to vector<16xi32>
    %get3A_263 = arith.constant 4 : i32
    %get3A_264 = arith.index_cast %get3A_263 : i32 to index
    %get3A_265 = arith.constant 16 : index
    %get3A_266 = tpu.vector_load %arg6[%get3A_264, %get3A_265] {strides = array<i32>} : memref<5x32xi32, #tpu.memory_space<vmem>>, vector<1x16xi32>,
    %get3A_267 = vector.shape_cast %get3A_266 : vector<1x16xi32> to vector<16xi32>
    %eq3A_268 = arith.cmpi eq, %get3A_247, %get3A_247 : vector<16xi32>
    %select_n3A_269 = arith.select %eq3A_268, %broadcast_in_dim3A_110, %broadcast_in_dim3A_112 : vector<16xi1>, vector<16xi32>
    %add3A_270 = arith.addi %broadcast_in_dim3A_112, %select_n3A_269 : vector<16xi32>
    %eq3A_271 = arith.cmpi eq, %get3A_247, %get3A_252 : vector<16xi32>
    %select_n3A_272 = arith.select %eq3A_271, %broadcast_in_dim3A_110, %broadcast_in_dim3A_112 : vector<16xi1>, vector<16xi32>
    %add3A_273 = arith.addi %add3A_270, %select_n3A_272 : vector<16xi32>
    %eq3A_274 = arith.cmpi eq, %get3A_247, %get3A_257 : vector<16xi32>
    %select_n3A_275 = arith.select %eq3A_274, %broadcast_in_dim3A_110, %broadcast_in_dim3A_112 : vector<16xi1>, vector<16xi32>
    %add3A_276 = arith.addi %add3A_273, %select_n3A_275 : vector<16xi32>
    %eq3A_277 = arith.cmpi eq, %get3A_247, %get3A_262 : vector<16xi32>
    %select_n3A_278 = arith.select %eq3A_277, %broadcast_in_dim3A_110, %broadcast_in_dim3A_112 : vector<16xi1>, vector<16xi32>
    %add3A_279 = arith.addi %add3A_276, %select_n3A_278 : vector<16xi32>
    %eq3A_280 = arith.cmpi eq, %get3A_247, %get3A_267 : vector<16xi32>
    %select_n3A_281 = arith.select %eq3A_280, %broadcast_in_dim3A_110, %broadcast_in_dim3A_112 : vector<16xi1>, vector<16xi32>
    %add3A_282 = arith.addi %add3A_279, %select_n3A_281 : vector<16xi32>
    %mul3A_283 = arith.constant 1000 : i32
    %mul3A_284 = vector.broadcast %mul3A_283 : i32 to vector<16xi32>
    %mul3A_285 = arith.muli %add3A_282, %mul3A_284 : vector<16xi32>
    %sub3A_286 = arith.subi %mul3A_285, %get3A_247 : vector<16xi32>
    %eq3A_287 = arith.cmpi eq, %get3A_252, %get3A_247 : vector<16xi32>
    %select_n3A_288 = arith.select %eq3A_287, %broadcast_in_dim3A_110, %broadcast_in_dim3A_112 : vector<16xi1>, vector<16xi32>
    %add3A_289 = arith.addi %broadcast_in_dim3A_112, %select_n3A_288 : vector<16xi32>
    %eq3A_290 = arith.cmpi eq, %get3A_252, %get3A_252 : vector<16xi32>
    %select_n3A_291 = arith.select %eq3A_290, %broadcast_in_dim3A_110, %broadcast_in_dim3A_112 : vector<16xi1>, vector<16xi32>
    %add3A_292 = arith.addi %add3A_289, %select_n3A_291 : vector<16xi32>
    %eq3A_293 = arith.cmpi eq, %get3A_252, %get3A_257 : vector<16xi32>
    %select_n3A_294 = arith.select %eq3A_293, %broadcast_in_dim3A_110, %broadcast_in_dim3A_112 : vector<16xi1>, vector<16xi32>
    %add3A_295 = arith.addi %add3A_292, %select_n3A_294 : vector<16xi32>
    %eq3A_296 = arith.cmpi eq, %get3A_252, %get3A_262 : vector<16xi32>
    %select_n3A_297 = arith.select %eq3A_296, %broadcast_in_dim3A_110, %broadcast_in_dim3A_112 : vector<16xi1>, vector<16xi32>
    %add3A_298 = arith.addi %add3A_295, %select_n3A_297 : vector<16xi32>
    %eq3A_299 = arith.cmpi eq, %get3A_252, %get3A_267 : vector<16xi32>
    %select_n3A_300 = arith.select %eq3A_299, %broadcast_in_dim3A_110, %broadcast_in_dim3A_112 : vector<16xi1>, vector<16xi32>
    %add3A_301 = arith.addi %add3A_298, %select_n3A_300 : vector<16xi32>
    %mul3A_302 = arith.constant 1000 : i32
    %mul3A_303 = vector.broadcast %mul3A_302 : i32 to vector<16xi32>
    %mul3A_304 = arith.muli %add3A_301, %mul3A_303 : vector<16xi32>
    %sub3A_305 = arith.subi %mul3A_304, %get3A_252 : vector<16xi32>
    %gt3A_306 = arith.cmpi sgt, %sub3A_305, %sub3A_286 : vector<16xi32>
    %select_n3A_307 = arith.select %gt3A_306, %get3A_252, %get3A_247 : vector<16xi1>, vector<16xi32>
    %select_n3A_308 = arith.select %gt3A_306, %sub3A_305, %sub3A_286 : vector<16xi1>, vector<16xi32>
    %eq3A_309 = arith.cmpi eq, %get3A_257, %get3A_247 : vector<16xi32>
    %select_n3A_310 = arith.select %eq3A_309, %broadcast_in_dim3A_110, %broadcast_in_dim3A_112 : vector<16xi1>, vector<16xi32>
    %add3A_311 = arith.addi %broadcast_in_dim3A_112, %select_n3A_310 : vector<16xi32>
    %eq3A_312 = arith.cmpi eq, %get3A_257, %get3A_252 : vector<16xi32>
    %select_n3A_313 = arith.select %eq3A_312, %broadcast_in_dim3A_110, %broadcast_in_dim3A_112 : vector<16xi1>, vector<16xi32>
    %add3A_314 = arith.addi %add3A_311, %select_n3A_313 : vector<16xi32>
    %eq3A_315 = arith.cmpi eq, %get3A_257, %get3A_257 : vector<16xi32>
    %select_n3A_316 = arith.select %eq3A_315, %broadcast_in_dim3A_110, %broadcast_in_dim3A_112 : vector<16xi1>, vector<16xi32>
    %add3A_317 = arith.addi %add3A_314, %select_n3A_316 : vector<16xi32>
    %eq3A_318 = arith.cmpi eq, %get3A_257, %get3A_262 : vector<16xi32>
    %select_n3A_319 = arith.select %eq3A_318, %broadcast_in_dim3A_110, %broadcast_in_dim3A_112 : vector<16xi1>, vector<16xi32>
    %add3A_320 = arith.addi %add3A_317, %select_n3A_319 : vector<16xi32>
    %eq3A_321 = arith.cmpi eq, %get3A_257, %get3A_267 : vector<16xi32>
    %select_n3A_322 = arith.select %eq3A_321, %broadcast_in_dim3A_110, %broadcast_in_dim3A_112 : vector<16xi1>, vector<16xi32>
    %add3A_323 = arith.addi %add3A_320, %select_n3A_322 : vector<16xi32>
    %mul3A_324 = arith.constant 1000 : i32
    %mul3A_325 = vector.broadcast %mul3A_324 : i32 to vector<16xi32>
    %mul3A_326 = arith.muli %add3A_323, %mul3A_325 : vector<16xi32>
    %sub3A_327 = arith.subi %mul3A_326, %get3A_257 : vector<16xi32>
    %gt3A_328 = arith.cmpi sgt, %sub3A_327, %select_n3A_308 : vector<16xi32>
    %select_n3A_329 = arith.select %gt3A_328, %get3A_257, %select_n3A_307 : vector<16xi1>, vector<16xi32>
    %select_n3A_330 = arith.select %gt3A_328, %sub3A_327, %select_n3A_308 : vector<16xi1>, vector<16xi32>
    %eq3A_331 = arith.cmpi eq, %get3A_262, %get3A_247 : vector<16xi32>
    %select_n3A_332 = arith.select %eq3A_331, %broadcast_in_dim3A_110, %broadcast_in_dim3A_112 : vector<16xi1>, vector<16xi32>
    %add3A_333 = arith.addi %broadcast_in_dim3A_112, %select_n3A_332 : vector<16xi32>
    %eq3A_334 = arith.cmpi eq, %get3A_262, %get3A_252 : vector<16xi32>
    %select_n3A_335 = arith.select %eq3A_334, %broadcast_in_dim3A_110, %broadcast_in_dim3A_112 : vector<16xi1>, vector<16xi32>
    %add3A_336 = arith.addi %add3A_333, %select_n3A_335 : vector<16xi32>
    %eq3A_337 = arith.cmpi eq, %get3A_262, %get3A_257 : vector<16xi32>
    %select_n3A_338 = arith.select %eq3A_337, %broadcast_in_dim3A_110, %broadcast_in_dim3A_112 : vector<16xi1>, vector<16xi32>
    %add3A_339 = arith.addi %add3A_336, %select_n3A_338 : vector<16xi32>
    %eq3A_340 = arith.cmpi eq, %get3A_262, %get3A_262 : vector<16xi32>
    %select_n3A_341 = arith.select %eq3A_340, %broadcast_in_dim3A_110, %broadcast_in_dim3A_112 : vector<16xi1>, vector<16xi32>
    %add3A_342 = arith.addi %add3A_339, %select_n3A_341 : vector<16xi32>
    %eq3A_343 = arith.cmpi eq, %get3A_262, %get3A_267 : vector<16xi32>
    %select_n3A_344 = arith.select %eq3A_343, %broadcast_in_dim3A_110, %broadcast_in_dim3A_112 : vector<16xi1>, vector<16xi32>
    %add3A_345 = arith.addi %add3A_342, %select_n3A_344 : vector<16xi32>
    %mul3A_346 = arith.constant 1000 : i32
    %mul3A_347 = vector.broadcast %mul3A_346 : i32 to vector<16xi32>
    %mul3A_348 = arith.muli %add3A_345, %mul3A_347 : vector<16xi32>
    %sub3A_349 = arith.subi %mul3A_348, %get3A_262 : vector<16xi32>
    %gt3A_350 = arith.cmpi sgt, %sub3A_349, %select_n3A_330 : vector<16xi32>
    %select_n3A_351 = arith.select %gt3A_350, %get3A_262, %select_n3A_329 : vector<16xi1>, vector<16xi32>
    %select_n3A_352 = arith.select %gt3A_350, %sub3A_349, %select_n3A_330 : vector<16xi1>, vector<16xi32>
    %eq3A_353 = arith.cmpi eq, %get3A_267, %get3A_247 : vector<16xi32>
    %select_n3A_354 = arith.select %eq3A_353, %broadcast_in_dim3A_110, %broadcast_in_dim3A_112 : vector<16xi1>, vector<16xi32>
    %add3A_355 = arith.addi %broadcast_in_dim3A_112, %select_n3A_354 : vector<16xi32>
    %eq3A_356 = arith.cmpi eq, %get3A_267, %get3A_252 : vector<16xi32>
    %select_n3A_357 = arith.select %eq3A_356, %broadcast_in_dim3A_110, %broadcast_in_dim3A_112 : vector<16xi1>, vector<16xi32>
    %add3A_358 = arith.addi %add3A_355, %select_n3A_357 : vector<16xi32>
    %eq3A_359 = arith.cmpi eq, %get3A_267, %get3A_257 : vector<16xi32>
    %select_n3A_360 = arith.select %eq3A_359, %broadcast_in_dim3A_110, %broadcast_in_dim3A_112 : vector<16xi1>, vector<16xi32>
    %add3A_361 = arith.addi %add3A_358, %select_n3A_360 : vector<16xi32>
    %eq3A_362 = arith.cmpi eq, %get3A_267, %get3A_262 : vector<16xi32>
    %select_n3A_363 = arith.select %eq3A_362, %broadcast_in_dim3A_110, %broadcast_in_dim3A_112 : vector<16xi1>, vector<16xi32>
    %add3A_364 = arith.addi %add3A_361, %select_n3A_363 : vector<16xi32>
    %eq3A_365 = arith.cmpi eq, %get3A_267, %get3A_267 : vector<16xi32>
    %select_n3A_366 = arith.select %eq3A_365, %broadcast_in_dim3A_110, %broadcast_in_dim3A_112 : vector<16xi1>, vector<16xi32>
    %add3A_367 = arith.addi %add3A_364, %select_n3A_366 : vector<16xi32>
    %mul3A_368 = arith.constant 1000 : i32
    %mul3A_369 = vector.broadcast %mul3A_368 : i32 to vector<16xi32>
    %mul3A_370 = arith.muli %add3A_367, %mul3A_369 : vector<16xi32>
    %sub3A_371 = arith.subi %mul3A_370, %get3A_267 : vector<16xi32>
    %gt3A_372 = arith.cmpi sgt, %sub3A_371, %select_n3A_352 : vector<16xi32>
    %select_n3A_373 = arith.select %gt3A_372, %get3A_267, %select_n3A_351 : vector<16xi1>, vector<16xi32>
    %select_n3A_374 = arith.select %gt3A_372, %sub3A_371, %select_n3A_352 : vector<16xi1>, vector<16xi32>
    %swap3A_375 = arith.constant 16 : index
    %swap3A_376 = tpu.vector_load %arg7[%swap3A_375] {strides = array<i32>} : memref<32xi32, #tpu.memory_space<vmem>>, vector<16xi32>,
    %swap3A_377 = vector.shape_cast %swap3A_376 : vector<16xi32> to vector<16xi32>
    %swap3A_378 = vector.shape_cast %select_n3A_373 : vector<16xi32> to vector<16xi32>
    tpu.vector_store %arg7[%swap3A_375], %swap3A_378 {strides = array<i32>} : memref<32xi32, #tpu.memory_space<vmem>>, vector<16xi32>,
    "tpu.region"() ({
      %run_scoped3A_379 = tpu.sem_alloc : memref<!tpu.dma_semaphore, #tpu.memory_space<semaphore_mem>>
      %dma_start3A_380 = tpu.memref_slice %arg4[%mul3A_2] : memref<1024xi32, #tpu.memory_space<hbm>> -> memref<32xi32, #tpu.memory_space<hbm>>
      %dma_start3A_381 = tpu.memref_slice %arg4[%mul3A_2] : memref<1024xi32, #tpu.memory_space<hbm>> -> memref<32xi32, #tpu.memory_space<hbm>>
      tpu.enqueue_dma source(%arg7 : memref<32xi32, #tpu.memory_space<vmem>>) target(%dma_start3A_381 : memref<32xi32, #tpu.memory_space<hbm>>) target_semaphore(%run_scoped3A_379 : memref<!tpu.dma_semaphore, #tpu.memory_space<semaphore_mem>>)
      %dma_wait3A_382 = tpu.memref_slice %arg4[%mul3A_2] : memref<1024xi32, #tpu.memory_space<hbm>> -> memref<32xi32, #tpu.memory_space<hbm>>
      %dma_wait3A_383 = tpu.memref_slice %arg4[%mul3A_2] : memref<1024xi32, #tpu.memory_space<hbm>> -> memref<32xi32, #tpu.memory_space<hbm>>
      tpu.wait_dma2 semaphore(%run_scoped3A_379 : memref<!tpu.dma_semaphore, #tpu.memory_space<semaphore_mem>>) src(%arg7 : memref<32xi32, #tpu.memory_space<vmem>>) dst(%dma_wait3A_383 : memref<32xi32, #tpu.memory_space<hbm>>)
      tpu.yield
    }) : () -> ()
    return
  }
}

module attributes {stable_mosaic.version = 14 : i64} {
  func.func @body(%arg0: i32, %arg1: memref<2000x32xf32, #tpu.memory_space<vmem>>, %arg2: memref<32x1024xf32, #tpu.memory_space<vmem>>, %arg3: memref<8x1024xi32, #tpu.memory_space<vmem>>, %arg4: memref<8x1024xf32, #tpu.memory_space<vmem>>, %arg5: memref<8x1024xi32, #tpu.memory_space<vmem>>) attributes {dimension_semantics = [#tpu.dimension_semantics<arbitrary>], iteration_bounds = array<i64: 50>, scalar_prefetch = 0 : i64, scratch_operands = 2 : i64, tpu.core_type = #tpu.core_type<tc>, window_params = [{transform_indices = @transform_0, window_bounds = array<i64: 2000, 32>}, {pipeline_mode = #tpu.pipeline_mode<synchronous>, transform_indices = @transform_1, window_bounds = array<i64: 32, 1024>}, {pipeline_mode = #tpu.pipeline_mode<synchronous>, transform_indices = @transform_2, window_bounds = array<i64: 8, 1024>}]} {
    %eq3A = arith.constant 0 : i32
    %eq3A_0 = arith.cmpi eq, %arg0, %eq3A : i32
    %convert_element_type3A = arith.extui %eq3A_0 : i1 to i32
    %cond3A = arith.constant 0 : i32
    %cond3A_1 = arith.cmpi ne, %convert_element_type3A, %cond3A : i32
    scf.if %cond3A_1 {
      %broadcast_in_dim3A_214 = arith.constant 3.000000e+38 : f32
      %broadcast_in_dim3A_215 = vector.broadcast %broadcast_in_dim3A_214 : f32 to vector<8x1024xf32>
      %swap3A_216 = arith.constant 0 : index
      %swap3A_217 = arith.constant 0 : index
      %swap3A_218 = vector.load %arg4[%swap3A_216, %swap3A_217] : memref<8x1024xf32, #tpu.memory_space<vmem>>, vector<8x1024xf32>
      tpu.vector_store %arg4[%swap3A_216, %swap3A_217], %broadcast_in_dim3A_215 {strides = array<i32>} : memref<8x1024xf32, #tpu.memory_space<vmem>>, vector<8x1024xf32>,
      %broadcast_in_dim3A_219 = arith.constant 2147483647 : i32
      %broadcast_in_dim3A_220 = vector.broadcast %broadcast_in_dim3A_219 : i32 to vector<8x1024xi32>
      %swap3A_221 = arith.constant 0 : index
      %swap3A_222 = arith.constant 0 : index
      %swap3A_223 = vector.load %arg5[%swap3A_221, %swap3A_222] : memref<8x1024xi32, #tpu.memory_space<vmem>>, vector<8x1024xi32>
      tpu.vector_store %arg5[%swap3A_221, %swap3A_222], %broadcast_in_dim3A_220 {strides = array<i32>} : memref<8x1024xi32, #tpu.memory_space<vmem>>, vector<8x1024xi32>,
    } else {
    }
    %get3A = arith.constant 0 : index
    %get3A_2 = arith.constant 0 : index
    %get3A_3 = vector.load %arg1[%get3A, %get3A_2] : memref<2000x32xf32, #tpu.memory_space<vmem>>, vector<2000x32xf32>
    %get3A_4 = arith.constant 0 : index
    %get3A_5 = arith.constant 0 : index
    %get3A_6 = vector.load %arg2[%get3A_4, %get3A_5] : memref<32x1024xf32, #tpu.memory_space<vmem>>, vector<32x1024xf32>
    %mul3A = arith.mulf %get3A_3, %get3A_3 : vector<2000x32xf32>
    %reduce_sum3A = arith.constant dense<0.000000e+00> : vector<2000xf32>
    %reduce_sum3A_7 = vector.multi_reduction <add>, %mul3A, %reduce_sum3A [1] : vector<2000x32xf32> to vector<2000xf32>
    %broadcast_in_dim3A = vector.shape_cast %reduce_sum3A_7 : vector<2000xf32> to vector<2000x1xf32>
    %mul3A_8 = arith.mulf %get3A_6, %get3A_6 : vector<32x1024xf32>
    %reduce_sum3A_9 = arith.constant dense<0.000000e+00> : vector<1024xf32>
    %reduce_sum3A_10 = vector.multi_reduction <add>, %mul3A_8, %reduce_sum3A_9 [0] : vector<32x1024xf32> to vector<1024xf32>
    %broadcast_in_dim3A_11 = vector.shape_cast %reduce_sum3A_10 : vector<1024xf32> to vector<1x1024xf32>
    %dot_general3A = arith.constant dense<0.000000e+00> : vector<2000x1024xf32>
    %dot_general3A_12 = tpu.matmul %get3A_3, %get3A_6, %dot_general3A {dimension_numbers = #tpu.dot_dimension_numbers<[1], [0], [0], [1], [0, 0, 1, 1], [], []>, transpose_lhs_hint = false} : vector<2000x32xf32>, vector<32x1024xf32>, vector<2000x1024xf32> -> vector<2000x1024xf32>
    %add3A = vector.broadcast %broadcast_in_dim3A_11 : vector<1x1024xf32> to vector<2000x1024xf32>
    %add3A_13 = vector.broadcast %broadcast_in_dim3A : vector<2000x1xf32> to vector<2000x1024xf32>
    %add3A_14 = arith.addf %add3A, %add3A_13 : vector<2000x1024xf32>
    %mul3A_15 = arith.constant 2.000000e+00 : f32
    %mul3A_16 = vector.broadcast %mul3A_15 : f32 to vector<2000x1024xf32>
    %mul3A_17 = arith.mulf %mul3A_16, %dot_general3A_12 : vector<2000x1024xf32>
    %sub3A = arith.subf %add3A_14, %mul3A_17 : vector<2000x1024xf32>
    %max3A = arith.constant 0.000000e+00 : f32
    %max3A_18 = vector.broadcast %max3A : f32 to vector<2000x1024xf32>
    %max3A_19 = arith.maximumf %sub3A, %max3A_18 : vector<2000x1024xf32>
    %sqrt3A = math.sqrt %max3A_19 : vector<2000x1024xf32>
    %iota3A = tpu.iota {dimensions = array<i32: 0>} : vector<2000x1024xi32>
    %mul3A_20 = arith.constant 2000 : i32
    %mul3A_21 = arith.muli %arg0, %mul3A_20 : i32
    %add3A_22 = vector.broadcast %mul3A_21 : i32 to vector<2000x1024xi32>
    %add3A_23 = arith.addi %iota3A, %add3A_22 : vector<2000x1024xi32>
    %get3A_24 = arith.constant 0 : index
    %get3A_25 = arith.constant 0 : index
    %get3A_26 = vector.load %arg4[%get3A_24, %get3A_25] : memref<8x1024xf32, #tpu.memory_space<vmem>>, vector<8x1024xf32>
    %get3A_27 = arith.constant 0 : index
    %get3A_28 = arith.constant 0 : index
    %get3A_29 = vector.load %arg5[%get3A_27, %get3A_28] : memref<8x1024xi32, #tpu.memory_space<vmem>>, vector<8x1024xi32>
    %reduce_min3A = arith.constant dense<0x7F800000> : vector<1024xf32>
    %reduce_min3A_30 = vector.multi_reduction <minimumf>, %sqrt3A, %reduce_min3A [0] : vector<2000x1024xf32> to vector<1024xf32>
    %broadcast_in_dim3A_31 = vector.shape_cast %reduce_min3A_30 : vector<1024xf32> to vector<1x1024xf32>
    %reduce_min3A_32 = arith.constant dense<0x7F800000> : vector<1024xf32>
    %reduce_min3A_33 = vector.multi_reduction <minimumf>, %get3A_26, %reduce_min3A_32 [0] : vector<8x1024xf32> to vector<1024xf32>
    %broadcast_in_dim3A_34 = vector.shape_cast %reduce_min3A_33 : vector<1024xf32> to vector<1x1024xf32>
    %min3A = arith.minimumf %broadcast_in_dim3A_31, %broadcast_in_dim3A_34 : vector<1x1024xf32>
    %sub3A_35 = vector.broadcast %min3A : vector<1x1024xf32> to vector<2000x1024xf32>
    %sub3A_36 = arith.subf %sqrt3A, %sub3A_35 : vector<2000x1024xf32>
    %bitcast_convert_type3A = tpu.bitcast %sub3A_36 : vector<2000x1024xf32> -> vector<2000x1024xi32>
    %add3A_37 = arith.addi %add3A_23, %bitcast_convert_type3A : vector<2000x1024xi32>
    %reduce_min3A_38 = arith.constant dense<2147483647> : vector<1024xi32>
    %reduce_min3A_39 = vector.multi_reduction <minsi>, %add3A_37, %reduce_min3A_38 [0] : vector<2000x1024xi32> to vector<1024xi32>
    %broadcast_in_dim3A_40 = vector.shape_cast %reduce_min3A_39 : vector<1024xi32> to vector<1x1024xi32>
    %eq3A_41 = vector.broadcast %min3A : vector<1x1024xf32> to vector<8x1024xf32>
    %eq3A_42 = arith.cmpf oeq, %get3A_26, %eq3A_41 : vector<8x1024xf32>
    %jit3A = arith.constant 2147483647 : i32
    %broadcast_in_dim3A_43 = vector.broadcast %jit3A : i32 to vector<8x1024xi32>
    %select_n3A = arith.select %eq3A_42, %get3A_29, %broadcast_in_dim3A_43 : vector<8x1024xi1>, vector<8x1024xi32>
    %reduce_min3A_44 = arith.constant dense<2147483647> : vector<1024xi32>
    %reduce_min3A_45 = vector.multi_reduction <minsi>, %select_n3A, %reduce_min3A_44 [0] : vector<8x1024xi32> to vector<1024xi32>
    %broadcast_in_dim3A_46 = vector.shape_cast %reduce_min3A_45 : vector<1024xi32> to vector<1x1024xi32>
    %min3A_47 = arith.minsi %broadcast_in_dim3A_40, %broadcast_in_dim3A_46 : vector<1x1024xi32>
    %swap3A = arith.constant 0 : index
    %swap3A_48 = arith.constant 0 : index
    %swap3A_49 = vector.load %arg4[%swap3A, %swap3A_48] : memref<8x1024xf32, #tpu.memory_space<vmem>>, vector<1x1024xf32>
    tpu.vector_store %arg4[%swap3A, %swap3A_48], %min3A {strides = array<i32>} : memref<8x1024xf32, #tpu.memory_space<vmem>>, vector<1x1024xf32>,
    %swap3A_50 = arith.constant 0 : index
    %swap3A_51 = arith.constant 0 : index
    %swap3A_52 = vector.load %arg5[%swap3A_50, %swap3A_51] : memref<8x1024xi32, #tpu.memory_space<vmem>>, vector<1x1024xi32>
    tpu.vector_store %arg5[%swap3A_50, %swap3A_51], %min3A_47 {strides = array<i32>} : memref<8x1024xi32, #tpu.memory_space<vmem>>, vector<1x1024xi32>,
    %eq3A_53 = vector.broadcast %min3A_47 : vector<1x1024xi32> to vector<2000x1024xi32>
    %eq3A_54 = arith.cmpi eq, %add3A_23, %eq3A_53 : vector<2000x1024xi32>
    %jit3A_55 = arith.constant 3.000000e+38 : f32
    %broadcast_in_dim3A_56 = vector.broadcast %jit3A_55 : f32 to vector<2000x1024xf32>
    %select_n3A_57 = arith.select %eq3A_54, %broadcast_in_dim3A_56, %sqrt3A : vector<2000x1024xi1>, vector<2000x1024xf32>
    %eq3A_58 = vector.broadcast %min3A_47 : vector<1x1024xi32> to vector<8x1024xi32>
    %eq3A_59 = arith.cmpi eq, %get3A_29, %eq3A_58 : vector<8x1024xi32>
    %jit3A_60 = arith.constant 3.000000e+38 : f32
    %broadcast_in_dim3A_61 = vector.broadcast %jit3A_60 : f32 to vector<8x1024xf32>
    %select_n3A_62 = arith.select %eq3A_59, %broadcast_in_dim3A_61, %get3A_26 : vector<8x1024xi1>, vector<8x1024xf32>
    %reduce_min3A_63 = arith.constant dense<0x7F800000> : vector<1024xf32>
    %reduce_min3A_64 = vector.multi_reduction <minimumf>, %select_n3A_57, %reduce_min3A_63 [0] : vector<2000x1024xf32> to vector<1024xf32>
    %broadcast_in_dim3A_65 = vector.shape_cast %reduce_min3A_64 : vector<1024xf32> to vector<1x1024xf32>
    %reduce_min3A_66 = arith.constant dense<0x7F800000> : vector<1024xf32>
    %reduce_min3A_67 = vector.multi_reduction <minimumf>, %select_n3A_62, %reduce_min3A_66 [0] : vector<8x1024xf32> to vector<1024xf32>
    %broadcast_in_dim3A_68 = vector.shape_cast %reduce_min3A_67 : vector<1024xf32> to vector<1x1024xf32>
    %min3A_69 = arith.minimumf %broadcast_in_dim3A_65, %broadcast_in_dim3A_68 : vector<1x1024xf32>
    %sub3A_70 = vector.broadcast %min3A_69 : vector<1x1024xf32> to vector<2000x1024xf32>
    %sub3A_71 = arith.subf %select_n3A_57, %sub3A_70 : vector<2000x1024xf32>
    %bitcast_convert_type3A_72 = tpu.bitcast %sub3A_71 : vector<2000x1024xf32> -> vector<2000x1024xi32>
    %add3A_73 = arith.addi %add3A_23, %bitcast_convert_type3A_72 : vector<2000x1024xi32>
    %reduce_min3A_74 = arith.constant dense<2147483647> : vector<1024xi32>
    %reduce_min3A_75 = vector.multi_reduction <minsi>, %add3A_73, %reduce_min3A_74 [0] : vector<2000x1024xi32> to vector<1024xi32>
    %broadcast_in_dim3A_76 = vector.shape_cast %reduce_min3A_75 : vector<1024xi32> to vector<1x1024xi32>
    %eq3A_77 = vector.broadcast %min3A_69 : vector<1x1024xf32> to vector<8x1024xf32>
    %eq3A_78 = arith.cmpf oeq, %select_n3A_62, %eq3A_77 : vector<8x1024xf32>
    %jit3A_79 = arith.constant 2147483647 : i32
    %broadcast_in_dim3A_80 = vector.broadcast %jit3A_79 : i32 to vector<8x1024xi32>
    %select_n3A_81 = arith.select %eq3A_78, %get3A_29, %broadcast_in_dim3A_80 : vector<8x1024xi1>, vector<8x1024xi32>
    %reduce_min3A_82 = arith.constant dense<2147483647> : vector<1024xi32>
    %reduce_min3A_83 = vector.multi_reduction <minsi>, %select_n3A_81, %reduce_min3A_82 [0] : vector<8x1024xi32> to vector<1024xi32>
    %broadcast_in_dim3A_84 = vector.shape_cast %reduce_min3A_83 : vector<1024xi32> to vector<1x1024xi32>
    %min3A_85 = arith.minsi %broadcast_in_dim3A_76, %broadcast_in_dim3A_84 : vector<1x1024xi32>
    %swap3A_86 = arith.constant 1 : index
    %swap3A_87 = arith.constant 0 : index
    %swap3A_88 = vector.load %arg4[%swap3A_86, %swap3A_87] : memref<8x1024xf32, #tpu.memory_space<vmem>>, vector<1x1024xf32>
    tpu.vector_store %arg4[%swap3A_86, %swap3A_87], %min3A_69 {strides = array<i32>} : memref<8x1024xf32, #tpu.memory_space<vmem>>, vector<1x1024xf32>,
    %swap3A_89 = arith.constant 1 : index
    %swap3A_90 = arith.constant 0 : index
    %swap3A_91 = vector.load %arg5[%swap3A_89, %swap3A_90] : memref<8x1024xi32, #tpu.memory_space<vmem>>, vector<1x1024xi32>
    tpu.vector_store %arg5[%swap3A_89, %swap3A_90], %min3A_85 {strides = array<i32>} : memref<8x1024xi32, #tpu.memory_space<vmem>>, vector<1x1024xi32>,
    %eq3A_92 = vector.broadcast %min3A_85 : vector<1x1024xi32> to vector<2000x1024xi32>
    %eq3A_93 = arith.cmpi eq, %add3A_23, %eq3A_92 : vector<2000x1024xi32>
    %jit3A_94 = arith.constant 3.000000e+38 : f32
    %broadcast_in_dim3A_95 = vector.broadcast %jit3A_94 : f32 to vector<2000x1024xf32>
    %select_n3A_96 = arith.select %eq3A_93, %broadcast_in_dim3A_95, %select_n3A_57 : vector<2000x1024xi1>, vector<2000x1024xf32>
    %eq3A_97 = vector.broadcast %min3A_85 : vector<1x1024xi32> to vector<8x1024xi32>
    %eq3A_98 = arith.cmpi eq, %get3A_29, %eq3A_97 : vector<8x1024xi32>
    %jit3A_99 = arith.constant 3.000000e+38 : f32
    %broadcast_in_dim3A_100 = vector.broadcast %jit3A_99 : f32 to vector<8x1024xf32>
    %select_n3A_101 = arith.select %eq3A_98, %broadcast_in_dim3A_100, %select_n3A_62 : vector<8x1024xi1>, vector<8x1024xf32>
    %reduce_min3A_102 = arith.constant dense<0x7F800000> : vector<1024xf32>
    %reduce_min3A_103 = vector.multi_reduction <minimumf>, %select_n3A_96, %reduce_min3A_102 [0] : vector<2000x1024xf32> to vector<1024xf32>
    %broadcast_in_dim3A_104 = vector.shape_cast %reduce_min3A_103 : vector<1024xf32> to vector<1x1024xf32>
    %reduce_min3A_105 = arith.constant dense<0x7F800000> : vector<1024xf32>
    %reduce_min3A_106 = vector.multi_reduction <minimumf>, %select_n3A_101, %reduce_min3A_105 [0] : vector<8x1024xf32> to vector<1024xf32>
    %broadcast_in_dim3A_107 = vector.shape_cast %reduce_min3A_106 : vector<1024xf32> to vector<1x1024xf32>
    %min3A_108 = arith.minimumf %broadcast_in_dim3A_104, %broadcast_in_dim3A_107 : vector<1x1024xf32>
    %sub3A_109 = vector.broadcast %min3A_108 : vector<1x1024xf32> to vector<2000x1024xf32>
    %sub3A_110 = arith.subf %select_n3A_96, %sub3A_109 : vector<2000x1024xf32>
    %bitcast_convert_type3A_111 = tpu.bitcast %sub3A_110 : vector<2000x1024xf32> -> vector<2000x1024xi32>
    %add3A_112 = arith.addi %add3A_23, %bitcast_convert_type3A_111 : vector<2000x1024xi32>
    %reduce_min3A_113 = arith.constant dense<2147483647> : vector<1024xi32>
    %reduce_min3A_114 = vector.multi_reduction <minsi>, %add3A_112, %reduce_min3A_113 [0] : vector<2000x1024xi32> to vector<1024xi32>
    %broadcast_in_dim3A_115 = vector.shape_cast %reduce_min3A_114 : vector<1024xi32> to vector<1x1024xi32>
    %eq3A_116 = vector.broadcast %min3A_108 : vector<1x1024xf32> to vector<8x1024xf32>
    %eq3A_117 = arith.cmpf oeq, %select_n3A_101, %eq3A_116 : vector<8x1024xf32>
    %jit3A_118 = arith.constant 2147483647 : i32
    %broadcast_in_dim3A_119 = vector.broadcast %jit3A_118 : i32 to vector<8x1024xi32>
    %select_n3A_120 = arith.select %eq3A_117, %get3A_29, %broadcast_in_dim3A_119 : vector<8x1024xi1>, vector<8x1024xi32>
    %reduce_min3A_121 = arith.constant dense<2147483647> : vector<1024xi32>
    %reduce_min3A_122 = vector.multi_reduction <minsi>, %select_n3A_120, %reduce_min3A_121 [0] : vector<8x1024xi32> to vector<1024xi32>
    %broadcast_in_dim3A_123 = vector.shape_cast %reduce_min3A_122 : vector<1024xi32> to vector<1x1024xi32>
    %min3A_124 = arith.minsi %broadcast_in_dim3A_115, %broadcast_in_dim3A_123 : vector<1x1024xi32>
    %swap3A_125 = arith.constant 2 : index
    %swap3A_126 = arith.constant 0 : index
    %swap3A_127 = vector.load %arg4[%swap3A_125, %swap3A_126] : memref<8x1024xf32, #tpu.memory_space<vmem>>, vector<1x1024xf32>
    tpu.vector_store %arg4[%swap3A_125, %swap3A_126], %min3A_108 {strides = array<i32>} : memref<8x1024xf32, #tpu.memory_space<vmem>>, vector<1x1024xf32>,
    %swap3A_128 = arith.constant 2 : index
    %swap3A_129 = arith.constant 0 : index
    %swap3A_130 = vector.load %arg5[%swap3A_128, %swap3A_129] : memref<8x1024xi32, #tpu.memory_space<vmem>>, vector<1x1024xi32>
    tpu.vector_store %arg5[%swap3A_128, %swap3A_129], %min3A_124 {strides = array<i32>} : memref<8x1024xi32, #tpu.memory_space<vmem>>, vector<1x1024xi32>,
    %eq3A_131 = vector.broadcast %min3A_124 : vector<1x1024xi32> to vector<2000x1024xi32>
    %eq3A_132 = arith.cmpi eq, %add3A_23, %eq3A_131 : vector<2000x1024xi32>
    %jit3A_133 = arith.constant 3.000000e+38 : f32
    %broadcast_in_dim3A_134 = vector.broadcast %jit3A_133 : f32 to vector<2000x1024xf32>
    %select_n3A_135 = arith.select %eq3A_132, %broadcast_in_dim3A_134, %select_n3A_96 : vector<2000x1024xi1>, vector<2000x1024xf32>
    %eq3A_136 = vector.broadcast %min3A_124 : vector<1x1024xi32> to vector<8x1024xi32>
    %eq3A_137 = arith.cmpi eq, %get3A_29, %eq3A_136 : vector<8x1024xi32>
    %jit3A_138 = arith.constant 3.000000e+38 : f32
    %broadcast_in_dim3A_139 = vector.broadcast %jit3A_138 : f32 to vector<8x1024xf32>
    %select_n3A_140 = arith.select %eq3A_137, %broadcast_in_dim3A_139, %select_n3A_101 : vector<8x1024xi1>, vector<8x1024xf32>
    %reduce_min3A_141 = arith.constant dense<0x7F800000> : vector<1024xf32>
    %reduce_min3A_142 = vector.multi_reduction <minimumf>, %select_n3A_135, %reduce_min3A_141 [0] : vector<2000x1024xf32> to vector<1024xf32>
    %broadcast_in_dim3A_143 = vector.shape_cast %reduce_min3A_142 : vector<1024xf32> to vector<1x1024xf32>
    %reduce_min3A_144 = arith.constant dense<0x7F800000> : vector<1024xf32>
    %reduce_min3A_145 = vector.multi_reduction <minimumf>, %select_n3A_140, %reduce_min3A_144 [0] : vector<8x1024xf32> to vector<1024xf32>
    %broadcast_in_dim3A_146 = vector.shape_cast %reduce_min3A_145 : vector<1024xf32> to vector<1x1024xf32>
    %min3A_147 = arith.minimumf %broadcast_in_dim3A_143, %broadcast_in_dim3A_146 : vector<1x1024xf32>
    %sub3A_148 = vector.broadcast %min3A_147 : vector<1x1024xf32> to vector<2000x1024xf32>
    %sub3A_149 = arith.subf %select_n3A_135, %sub3A_148 : vector<2000x1024xf32>
    %bitcast_convert_type3A_150 = tpu.bitcast %sub3A_149 : vector<2000x1024xf32> -> vector<2000x1024xi32>
    %add3A_151 = arith.addi %add3A_23, %bitcast_convert_type3A_150 : vector<2000x1024xi32>
    %reduce_min3A_152 = arith.constant dense<2147483647> : vector<1024xi32>
    %reduce_min3A_153 = vector.multi_reduction <minsi>, %add3A_151, %reduce_min3A_152 [0] : vector<2000x1024xi32> to vector<1024xi32>
    %broadcast_in_dim3A_154 = vector.shape_cast %reduce_min3A_153 : vector<1024xi32> to vector<1x1024xi32>
    %eq3A_155 = vector.broadcast %min3A_147 : vector<1x1024xf32> to vector<8x1024xf32>
    %eq3A_156 = arith.cmpf oeq, %select_n3A_140, %eq3A_155 : vector<8x1024xf32>
    %jit3A_157 = arith.constant 2147483647 : i32
    %broadcast_in_dim3A_158 = vector.broadcast %jit3A_157 : i32 to vector<8x1024xi32>
    %select_n3A_159 = arith.select %eq3A_156, %get3A_29, %broadcast_in_dim3A_158 : vector<8x1024xi1>, vector<8x1024xi32>
    %reduce_min3A_160 = arith.constant dense<2147483647> : vector<1024xi32>
    %reduce_min3A_161 = vector.multi_reduction <minsi>, %select_n3A_159, %reduce_min3A_160 [0] : vector<8x1024xi32> to vector<1024xi32>
    %broadcast_in_dim3A_162 = vector.shape_cast %reduce_min3A_161 : vector<1024xi32> to vector<1x1024xi32>
    %min3A_163 = arith.minsi %broadcast_in_dim3A_154, %broadcast_in_dim3A_162 : vector<1x1024xi32>
    %swap3A_164 = arith.constant 3 : index
    %swap3A_165 = arith.constant 0 : index
    %swap3A_166 = vector.load %arg4[%swap3A_164, %swap3A_165] : memref<8x1024xf32, #tpu.memory_space<vmem>>, vector<1x1024xf32>
    tpu.vector_store %arg4[%swap3A_164, %swap3A_165], %min3A_147 {strides = array<i32>} : memref<8x1024xf32, #tpu.memory_space<vmem>>, vector<1x1024xf32>,
    %swap3A_167 = arith.constant 3 : index
    %swap3A_168 = arith.constant 0 : index
    %swap3A_169 = vector.load %arg5[%swap3A_167, %swap3A_168] : memref<8x1024xi32, #tpu.memory_space<vmem>>, vector<1x1024xi32>
    tpu.vector_store %arg5[%swap3A_167, %swap3A_168], %min3A_163 {strides = array<i32>} : memref<8x1024xi32, #tpu.memory_space<vmem>>, vector<1x1024xi32>,
    %eq3A_170 = vector.broadcast %min3A_163 : vector<1x1024xi32> to vector<2000x1024xi32>
    %eq3A_171 = arith.cmpi eq, %add3A_23, %eq3A_170 : vector<2000x1024xi32>
    %jit3A_172 = arith.constant 3.000000e+38 : f32
    %broadcast_in_dim3A_173 = vector.broadcast %jit3A_172 : f32 to vector<2000x1024xf32>
    %select_n3A_174 = arith.select %eq3A_171, %broadcast_in_dim3A_173, %select_n3A_135 : vector<2000x1024xi1>, vector<2000x1024xf32>
    %eq3A_175 = vector.broadcast %min3A_163 : vector<1x1024xi32> to vector<8x1024xi32>
    %eq3A_176 = arith.cmpi eq, %get3A_29, %eq3A_175 : vector<8x1024xi32>
    %jit3A_177 = arith.constant 3.000000e+38 : f32
    %broadcast_in_dim3A_178 = vector.broadcast %jit3A_177 : f32 to vector<8x1024xf32>
    %select_n3A_179 = arith.select %eq3A_176, %broadcast_in_dim3A_178, %select_n3A_140 : vector<8x1024xi1>, vector<8x1024xf32>
    %reduce_min3A_180 = arith.constant dense<0x7F800000> : vector<1024xf32>
    %reduce_min3A_181 = vector.multi_reduction <minimumf>, %select_n3A_174, %reduce_min3A_180 [0] : vector<2000x1024xf32> to vector<1024xf32>
    %broadcast_in_dim3A_182 = vector.shape_cast %reduce_min3A_181 : vector<1024xf32> to vector<1x1024xf32>
    %reduce_min3A_183 = arith.constant dense<0x7F800000> : vector<1024xf32>
    %reduce_min3A_184 = vector.multi_reduction <minimumf>, %select_n3A_179, %reduce_min3A_183 [0] : vector<8x1024xf32> to vector<1024xf32>
    %broadcast_in_dim3A_185 = vector.shape_cast %reduce_min3A_184 : vector<1024xf32> to vector<1x1024xf32>
    %min3A_186 = arith.minimumf %broadcast_in_dim3A_182, %broadcast_in_dim3A_185 : vector<1x1024xf32>
    %sub3A_187 = vector.broadcast %min3A_186 : vector<1x1024xf32> to vector<2000x1024xf32>
    %sub3A_188 = arith.subf %select_n3A_174, %sub3A_187 : vector<2000x1024xf32>
    %bitcast_convert_type3A_189 = tpu.bitcast %sub3A_188 : vector<2000x1024xf32> -> vector<2000x1024xi32>
    %add3A_190 = arith.addi %add3A_23, %bitcast_convert_type3A_189 : vector<2000x1024xi32>
    %reduce_min3A_191 = arith.constant dense<2147483647> : vector<1024xi32>
    %reduce_min3A_192 = vector.multi_reduction <minsi>, %add3A_190, %reduce_min3A_191 [0] : vector<2000x1024xi32> to vector<1024xi32>
    %broadcast_in_dim3A_193 = vector.shape_cast %reduce_min3A_192 : vector<1024xi32> to vector<1x1024xi32>
    %eq3A_194 = vector.broadcast %min3A_186 : vector<1x1024xf32> to vector<8x1024xf32>
    %eq3A_195 = arith.cmpf oeq, %select_n3A_179, %eq3A_194 : vector<8x1024xf32>
    %jit3A_196 = arith.constant 2147483647 : i32
    %broadcast_in_dim3A_197 = vector.broadcast %jit3A_196 : i32 to vector<8x1024xi32>
    %select_n3A_198 = arith.select %eq3A_195, %get3A_29, %broadcast_in_dim3A_197 : vector<8x1024xi1>, vector<8x1024xi32>
    %reduce_min3A_199 = arith.constant dense<2147483647> : vector<1024xi32>
    %reduce_min3A_200 = vector.multi_reduction <minsi>, %select_n3A_198, %reduce_min3A_199 [0] : vector<8x1024xi32> to vector<1024xi32>
    %broadcast_in_dim3A_201 = vector.shape_cast %reduce_min3A_200 : vector<1024xi32> to vector<1x1024xi32>
    %min3A_202 = arith.minsi %broadcast_in_dim3A_193, %broadcast_in_dim3A_201 : vector<1x1024xi32>
    %swap3A_203 = arith.constant 4 : index
    %swap3A_204 = arith.constant 0 : index
    %swap3A_205 = vector.load %arg4[%swap3A_203, %swap3A_204] : memref<8x1024xf32, #tpu.memory_space<vmem>>, vector<1x1024xf32>
    tpu.vector_store %arg4[%swap3A_203, %swap3A_204], %min3A_186 {strides = array<i32>} : memref<8x1024xf32, #tpu.memory_space<vmem>>, vector<1x1024xf32>,
    %swap3A_206 = arith.constant 4 : index
    %swap3A_207 = arith.constant 0 : index
    %swap3A_208 = vector.load %arg5[%swap3A_206, %swap3A_207] : memref<8x1024xi32, #tpu.memory_space<vmem>>, vector<1x1024xi32>
    tpu.vector_store %arg5[%swap3A_206, %swap3A_207], %min3A_202 {strides = array<i32>} : memref<8x1024xi32, #tpu.memory_space<vmem>>, vector<1x1024xi32>,
    %eq3A_209 = arith.constant 49 : i32
    %eq3A_210 = arith.cmpi eq, %arg0, %eq3A_209 : i32
    %convert_element_type3A_211 = arith.extui %eq3A_210 : i1 to i32
    %cond3A_212 = arith.constant 0 : i32
    %cond3A_213 = arith.cmpi ne, %convert_element_type3A_211, %cond3A_212 : i32
    scf.if %cond3A_213 {
      %get3A_214 = arith.constant 0 : index
      %get3A_215 = arith.constant 0 : index
      %get3A_216 = vector.load %arg5[%get3A_214, %get3A_215] : memref<8x1024xi32, #tpu.memory_space<vmem>>, vector<8x1024xi32>
      %swap3A_217 = arith.constant 0 : index
      %swap3A_218 = arith.constant 0 : index
      %swap3A_219 = vector.load %arg3[%swap3A_217, %swap3A_218] : memref<8x1024xi32, #tpu.memory_space<vmem>>, vector<8x1024xi32>
      tpu.vector_store %arg3[%swap3A_217, %swap3A_218], %get3A_216 {strides = array<i32>} : memref<8x1024xi32, #tpu.memory_space<vmem>>, vector<8x1024xi32>,
    } else {
    }
    return
  }
  func.func @transform_0(%arg0: i32) -> (i32, i32) {
    %c0_i32 = arith.constant 0 : i32
    %c0_i32_0 = arith.constant 0 : i32
    return %arg0, %c0_i32 : i32, i32
  }
  func.func @transform_1(%arg0: i32) -> (i32, i32) {
    %c0_i32 = arith.constant 0 : i32
    %c0_i32_0 = arith.constant 0 : i32
    %c0_i32_1 = arith.constant 0 : i32
    return %c0_i32, %c0_i32_0 : i32, i32
  }
  func.func @transform_2(%arg0: i32) -> (i32, i32) {
    %c0_i32 = arith.constant 0 : i32
    %c0_i32_0 = arith.constant 0 : i32
    %c0_i32_1 = arith.constant 0 : i32
    return %c0_i32, %c0_i32_0 : i32, i32
  }
}

</mosaic_0001>

<sc_bundles>
// kernel: kernel.4.cloned.1.call-start
scs
__scs_entry_jumppad:
0x0: {  	(pc) =	sbr.rel $0x88, $3  }
0x1: {  	(tag) =	ssettag $0x0;
	lr =	simm.s32 $0x1  }
0x2: {  	[smem:$0x3F9E] =	sst lr;
	_ =	strace $0xD0000000  }
0x3: {  	_ = 	snop  }
0x4: {  	_ = 	snop  }
0x5: {  	_ = 	snop  }
0x6: {  	_ = 	snop  }
0x7: {  	_ = 	snop  }
__scs_overlays_trampoline_lowered:
0x8: {  	[smem:$0x3FAD] =	sst s0  }
0x9: {  	[smem:$0x3FAE] =	sst s1  }
0xa: {  	[smem:$0x3FAF] =	sst s2  }
0xb: {  	[smem:$0x3FB0] =	sst s3  }
0xc: {  	[smem:$0x3FB1] =	sst s4  }
0xd: {  	[smem:$0x3FB2] =	sst s5  }
0xe: {  	[smem:$0x3FB3] =	sst s6  }
0xf: {  	[smem:$0x3FB4] =	sst s7  }
0x10: {  	[smem:$0x3FB5] =	sst s8  }
0x11: {  	[smem:$0x3FB6] =	sst s9;
	s0 =	simm.s32 @!p0 $0x0  }
0x12: {  	s1 =	sld [smem:$0x3F9C];
	s0 =	simm.s32 @p0 $0x1  }
0x13: {  	[smem:$0x3FB7] =	sst s0;
	s0 =	simm.s32 @!p1 $0x0  }
0x14: {  	s2 =	sld [smem:$0x3F9B];
	s0 =	simm.s32 @p1 $0x1  }
0x15: {  	[smem:$0x3FB8] =	sst s0;
	s0 =	simm.s32 @!p2 $0x0  }
0x16: {  	s3 =	sld [smem:$0x3FDB];
	s0 =	simm.s32 @p2 $0x1  }
0x17: {  	s4 =	simm.s32 $0x1BF5;
	[smem:$0x3FBA] =	sst s0  }
0x18: {  	s0 =	sld [smem:$0x3F9D];
	_ =	swait.ge [sflag:s4], $0x0  }
0x19: {  	s7 =	sld [smem:$0x3F9E]  }
0x1a: {  	s8 =	sadd.s32 $0xFFFFE003, lr  }
0x1b: {  	s9 =	sadd.s32 $0xFFFFFEF7, lr;
	s5 =	simm.s32 $0xFFFFFFFF;
	p2 =	slt.u32 s8, $0xFFFFF086  }
0x1c: {  	p1 =	slt.u32 s9, $0xF7A;
	s5 =	simm.s32 @!p2 $0x0  }
0x1d: {  	s5 =	simm.s32 @p1 $0x1;
	p0 =	seq.s32 s7, s2  }
0x1e: {  	s7 =	smul.u32 @!p0 $0xF7A, s2;
	p2 =	seq.s32 @!p0 s5, $0x0  }
0x1f: {  	s9 =	smul.u32 $0xF7A, s1;
	s8 =	simm.s32 @!p0 $0x1BF5;
	p2 =	por !p2, p0  }
0x20: {  	[sflag:s8] =	ssyncset.s32 @!p0 $0xFFFFF086;
	s6 =	sadd.s32 @!p0 s3, s7;
	s7 =	simm.s32 @!p0 $0x108  }
0x21: {  	s3 =	sadd.s32 s3, s9;
	s6 =	sadd.s32 @!p0 $0x88, s6;
	s7 =	simm.s32 @p2 $0x1082  }
0x22: {  	[simem:s7], [sflag:s8] =	dma.local @!p0 [hbm:s6], $0xF7A  }
0x23: {  	s9 =	sor.u32 $0xD0000000, s2;
	s6 =	simm.s32 $0x108;
	_ =	swait.ge @!p0 [sflag:s8], $0x0  }
0x24: {  	s3 =	sadd.s32 $0x88, s3;
	s6 =	simm.s32 @!p1 $0x1082;
	[sflag:s4] =	ssyncset.s32 $0xFFFFF086  }
0x25: {  	[simem:s6], [sflag:s4] =	dma.local [hbm:s3], $0xF7A  }
0x26: {  	[smem:$0x3F9E] =	sst s1;
	(tag) =	ssettag s2;
	_ =	strace s9  }
0x27: {  	s1 =	sld [smem:$0x3FAE]  }
0x28: {  	s2 =	sld [smem:$0x3FAF]  }
0x29: {  	s4 =	sld [smem:$0x3FB1]  }
0x2a: {  	p0 =	seq.s32 s5, $0x0;
	s5 =	sld [smem:$0x3FB2]  }
0x2b: {  	s6 =	sld [smem:$0x3FB3]  }
0x2c: {  	s7 =	sld [smem:$0x3FB4]  }
0x2d: {  	s3 =	simm.s32 $0x108;
	s8 =	sld [smem:$0x3FB5]  }
0x2e: {  	s3 =	simm.s32 @!p0 $0x1082;
	s9 =	sld [smem:$0x3FB6]  }
0x2f: {  	lr =	sadd.s32 s0, s3;
	s0 =	sld [smem:$0x3FAD]  }
0x30: {  	s3 =	sld [smem:$0x3FB0]  }
0x31: {  	[smem:$0x3FB9] =	sst s10  }
0x32: {  	s10 =	sld [smem:$0x3FB7];
	_ =	sdelay $0x3  }
0x33: {  	p0 =	seq.s32 s10, $0x1;
	s10 =	sld [smem:$0x3FB9];
	_ =	sdelay $0x3  }
0x34: {  	[smem:$0x3FB9] =	sst s10  }
0x35: {  	s10 =	sld [smem:$0x3FB8];
	_ =	sdelay $0x3  }
0x36: {  	p1 =	seq.s32 s10, $0x1;
	s10 =	sld [smem:$0x3FB9];
	_ =	sdelay $0x3  }
0x37: {  	[smem:$0x3FB9] =	sst s10  }
0x38: {  	s10 =	sld [smem:$0x3FBA]  }
0x39: {  	_ = 	snop;
	(pc) =	sbr.ind lr, $3  }
0x3a: {  	_ = 	snop  }
0x3b: {  	_ = 	snop  }
0x3c: {  	p2 =	seq.s32 s10, $0x1;
	s10 =	sld [smem:$0x3FB9]  }
0x3d: {  	_ =	shalt  }
0x3e: {  	_ =	shalt  }
0x3f: {  	_ =	shalt  }
0x40: {  	_ =	shalt  }
0x41: {  	_ =	shalt  }
0x42: {  	_ =	shalt  }
0x43: {  	_ =	shalt  }
0x44: {  	_ =	shalt  }
0x45: {  	_ =	shalt  }
0x46: {  	_ =	shalt  }
0x47: {  	_ =	shalt  }
0x48: {  	_ =	shalt  }
0x49: {  	_ =	shalt  }
0x4a: {  	_ =	shalt  }
0x4b: {  	_ =	shalt  }
0x4c: {  	_ =	shalt  }
0x4d: {  	_ =	shalt  }
0x4e: {  	_ =	shalt  }
0x4f: {  	_ =	shalt  }
0x50: {  	_ =	shalt  }
0x51: {  	_ =	shalt  }
0x52: {  	_ =	shalt  }
0x53: {  	_ =	shalt  }
0x54: {  	_ =	shalt  }
0x55: {  	_ =	shalt  }
0x56: {  	_ =	shalt  }
0x57: {  	_ =	shalt  }
0x58: {  	_ =	shalt  }
0x59: {  	_ =	shalt  }
0x5a: {  	_ =	shalt  }
0x5b: {  	_ =	shalt  }
0x5c: {  	_ =	shalt  }
0x5d: {  	_ =	shalt  }
0x5e: {  	_ =	shalt  }
0x5f: {  	_ =	shalt  }
0x60: {  	_ =	shalt  }
0x61: {  	_ =	shalt  }
0x62: {  	_ =	shalt  }
0x63: {  	_ =	shalt  }
0x64: {  	_ =	shalt  }
0x65: {  	_ =	shalt  }
0x66: {  	_ =	shalt  }
0x67: {  	_ =	shalt  }
0x68: {  	_ =	shalt  }
0x69: {  	_ =	shalt  }
0x6a: {  	_ =	shalt  }
0x6b: {  	_ =	shalt  }
0x6c: {  	_ =	shalt  }
0x6d: {  	_ =	shalt  }
0x6e: {  	_ =	shalt  }
0x6f: {  	_ =	shalt  }
0x70: {  	_ =	shalt  }
0x71: {  	_ =	shalt  }
0x72: {  	_ =	shalt  }
0x73: {  	_ =	shalt  }
0x74: {  	_ =	shalt  }
0x75: {  	_ =	shalt  }
0x76: {  	_ =	shalt  }
0x77: {  	_ =	shalt  }
0x78: {  	_ =	shalt  }
0x79: {  	_ =	shalt  }
0x7a: {  	_ =	shalt  }
0x7b: {  	_ =	shalt  }
0x7c: {  	_ =	shalt  }
0x7d: {  	_ =	shalt  }
0x7e: {  	_ =	shalt  }
0x7f: {  	_ =	shalt  }
0x80: {  	_ =	shalt  }
0x81: {  	_ =	shalt  }
0x82: {  	_ =	shalt  }
0x83: {  	_ =	shalt  }
0x84: {  	_ =	shalt  }
0x85: {  	_ =	shalt  }
0x86: {  	_ =	shalt  }
0x87: {  	_ =	shalt  }
.Lfunc_end0:
.L_simem_size_0:
called_computation_lowered:
.L_overlay_start_0:
0x88: {  	s2 =	sld [smem:$0x3FD9]  }
0x89: {  	s3 =	sld [smem:$0x3FFE];
	_ =	sdelay $0x1  }
0x8a: {  	s1 =	srdreg.scid  }
0x8b: {  	s0 =	sand.u32 $0x1, s1  }
0x8c: {  	s17 =	sshll.u32 s0, $0xA;
	s2 =	sadd.s32 s3, s2  }
0x8d: {  	s2 =	sadd.s32 s2, s17  }
0x8e: {  	[smem:$0x3FC5] =	sst s2  }
0x8f: {  	_ = 	snop  }
0x90: {  	s2 =	sld [smem:$0x3FC7]  }
0x91: {  	s18 =	sld [smem:$0x3FD0];
	(tm) =	ssettm $0x1  }
0x92: {  	s4 =	sld [smem:$0x3FFB];
	_ =	sdelay $0x3  }
0x93: {  	_ =	strace s4  }
0x94: {  	s4 =	sld [smem:$0x3FFC];
	_ =	sdelay $0x3  }
0x95: {  	_ =	strace s4  }
0x96: {  	s4 =	sld [smem:$0x3FFD];
	_ =	sdelay $0x3  }
0x97: {  	_ =	strace s4  }
0x98: {  	_ =	strace $0x8FFFFFFF  }
0x99: {  	s19 =	sld [smem:$0x3FDB];
	_ =	sdelay $0x1  }
0x9a: {  	s5 =	simm.s32 $_scs_section_size  }
0x9b: {  	s6 =	simm.s32 $_size__tile_overlayer_lowered;
	s7 =	simm.s32 $_tile_overlayer_lowered  }
0x9c: {  	s22 =	simm.s32 $0x1BFF;
	s21 =	sshll.u32 s7, $0x1;
	s4 =	sadd.s32 s5, s19  }
0x9d: {  	s8 =	simm.s32 $0x0;
	s20 =	sshll.u32 s6, $0x1;
	s6 =	sadd.s32 s21, s4  }
0x9e: {  	[timem:s8], [sflag:s22] =	dma.local [hbm:s6], s20  }
0x9f: {  	_ =	swait.ge [sflag:s22], s20  }
0xa0: {  	s5 =	ssub.s32 $0x0, s20;
	[sflag:s22] =	ssyncset.done $0x0  }
0xa1: {  	[sflag:s22] =	ssyncadd.s32 s5;
	_ =	sdelay $0x1  }
0xa2: {  	s23 =	simm.s32 $0x1B8B  }
0xa3: {  	_ =	swait.ge [sflag:s23], $0x1  }
0xa4: {  	[sflag:s23] =	ssyncset.done $0x0  }
0xa5: {  	s25 =	simm.s32 $0x1B8E;
	s24 =	sld [smem:$0x3FFE];
	[sflag:s23] =	ssyncadd.s32 $0xFFFFFFFF  }
0xa6: {  	s26 =	simm.s32 $execute0_lowered;
	[smem:$0x3FD2] =	sst s25  }
0xa7: {  	s6 =	sshll.u32 s26, $0x1;
	_ =	strace $0x80000046;
	[dreg:$0x1] =	wrdreg $0xFFFFFFFF  }
0xa8: {  	s28 =	simm.s32 $_size_execute0_lowered;
	s4 =	sadd.s32 s4, s6;
	[dreg:$0x0] =	wrdreg $0x0  }
0xa9: {  	s6 =	sshll.u32 s28, $0x1;
	[dreg:$0x2] =	wrdreg s4  }
0xaa: {  	[dreg:$0x3] =	wrdreg s6  }
0xab: {  	[dreg:$0x4] =	wrdreg $0xC0  }
0xac: {  	_ =	task [dreg:s8], $0x5FFFF  }
0xad: {  	[dreg:$0x1] =	wrdreg $0xFFFFFFFF  }
0xae: {  	[dreg:$0x0] =	wrdreg $0x60  }
0xaf: {  	[dreg:$0x2] =	wrdreg s24  }
0xb0: {  	[dreg:$0x3] =	wrdreg s2  }
0xb1: {  	[dreg:$0x4] =	wrdreg s18  }
0xb2: {  	[dreg:$0x5] =	wrdreg $0x9  }
0xb3: {  	_ =	task.clear_ibuf [dreg:s8], $0x6FFFF;
	_ =	strace $0x90000046  }
0xb4: {  	s29 =	simm.s32 $0x9;
	_ =	strace $0x80000048  }
0xb5: {  	_ =	swait.ge [sflag:s29], $0x1  }
0xb6: {  	[sflag:s29] =	ssyncadd.s32 $0xFFFFFFFF  }
0xb7: {  	_ =	strace $0x90000048  }
0xb8: {  	_ =	sfence  }
0xb9: {  	s30 =	sld [smem:$0x0];
	_ =	sdelay $0x2  }
0xba: {  	s31 =	sshll.u32 s1, $0xD;
	s1 =	sshrl.u32 s1, $0x2  }
0xbb: {  	s3 =	sand.u32 $0x4000, s31;
	s1 =	sadd.s32 s1, s30  }
0xbc: {  	s0 =	sor.u32 s3, s0;
	s1 =	sshll.u32 s1, $0x11  }
0xbd: {  	s0 =	sor.u32 s1, s0  }
0xbe: {  	s0 =	sadd.s32 $0x8F2B, s0  }
0xbf: {  	[sflag:s0] =	ssyncadd.remote.s32 $0x1  }
0xc0: {  	_ =	sfence.sel $0xFFFF  }
0xc1: {  	[dreg:$0x0] =	wrdreg $0xFFFFFFFF;
	(pc) =	sbr.abs _section_cstart, $3  }
0xc2: {  	[dreg:$0x1] =	wrdreg $0xFFFFFFFF  }
0xc3: {  	_ =	task.clear_ibuf [dreg:s8], $0x2FFFF;
	_ =	strace $0x9FFFFFFF  }
0xc4: {  	(tm) =	ssettm $0x7FFFFFFF  }
0xc5: {  	_ =	shalt  }
tec
execute0_lowered:
.L_overlay_start_1:
0x0: {  	(tag) =	ssettag $0x1  }
0x1: {  	s1 =	srdreg.scid  }
0x2: {  	s0 =	stileid.u32;
	s23 =	sand.u32 $0x1, s1  }
0x3: {  	s30 =	sshll.u32 s0, $0x6;
	s2 =	sshll.u32 s23, $0x5  }
0x4: {  	s3 =	rddreg [dreg:$0x0];
	s31 =	sshll.u32 s0, $0x9;
	s22 =	sor.u32 s2, s30  }
0x5: {  	s4 =	rddreg [dreg:$0x1];
	s1 =	sor.u32 s31, s22  }
0x6: {  	s21 =	rddreg [dreg:$0x2];
	s2 =	simm.s32 $0x0;
	s5 =	sand.u32 $0x1C60, s1  }
0x7: {  	[smem:$0x7FF] =	sst s2;
	s5 =	sshrl.u32 s5, $0x3  }
0x8: {  	s1 =	rddreg [dreg:$0x3];
	s12 =	sadd.s32 s5, s3  }
0x9: {  	_ =	strace $0x80000047;
	s3 =	simm.s32 $0x2;
	s5 =	sadd.s32 $0x800, s12  }
0xa: {  	[tilespmem:s2], [sflag:$0x2] =	stream.linear.gather [hbm4b:s5+s2], $0x20, $0x38;
	[tilespmem:$0x880] =	vst v63  }
0xb: {  	_ =	swait.ge [sflag:s3], $0x20  }
0xc: {  	[sflag:s3] =	ssyncset.done $0x0  }
0xd: {  	s7 =	simm.s32 $0x80;
	s6 =	sadd.s32 $0x810, s12;
	[sflag:s3] =	ssyncadd.s32 $0xFFFFFFE0  }
0xe: {  	[tilespmem:s7], [sflag:$0x2] =	stream.linear.gather [hbm4b:s6+s2], $0x20, $0x38;
	[tilespmem:$0x880] =	vst v63  }
0xf: {  	_ =	swait.ge [sflag:s3], $0x20  }
0x10: {  	[sflag:s3] =	ssyncset.done $0x0  }
0x11: {  	s9 =	simm.s32 $0x100;
	s8 =	sadd.s32 $0x820, s12;
	[sflag:s3] =	ssyncadd.s32 $0xFFFFFFE0  }
0x12: {  	[tilespmem:s9], [sflag:$0x2] =	stream.linear.gather [hbm4b:s8+s2], $0x20, $0x38;
	[tilespmem:$0x880] =	vst v63  }
0x13: {  	_ =	swait.ge [sflag:s3], $0x20  }
0x14: {  	[sflag:s3] =	ssyncset.done $0x0  }
0x15: {  	s11 =	simm.s32 $0x180;
	s10 =	sadd.s32 $0x830, s12;
	[sflag:s3] =	ssyncadd.s32 $0xFFFFFFE0  }
0x16: {  	[tilespmem:s11], [sflag:$0x2] =	stream.linear.gather [hbm4b:s10+s2], $0x20, $0x38;
	[tilespmem:$0x880] =	vst v63  }
0x17: {  	_ =	swait.ge [sflag:s3], $0x20  }
0x18: {  	[sflag:s3] =	ssyncset.done $0x0  }
0x19: {  	s13 =	simm.s32 $0x200;
	s12 =	sadd.s32 $0x840, s12;
	[sflag:s3] =	ssyncadd.s32 $0xFFFFFFE0  }
0x1a: {  	[tilespmem:s13], [sflag:$0x2] =	stream.linear.gather [hbm4b:s12+s2], $0x20, $0x38;
	[tilespmem:$0x880] =	vst v63  }
0x1b: {  	_ =	swait.ge [sflag:s3], $0x20  }
0x1c: {  	[sflag:s3] =	ssyncset.done $0x0  }
0x1d: {  	s14 =	simm.s32 $0x20;
	s15 =	simm.s32 $0x400;
	[sflag:s3] =	ssyncadd.s32 $0xFFFFFFE0  }
0x1e: {  	[tilespmem:s15], [sflag:$0x1] =	stream.indirect.gather [hbm4b:s4+s14], $0x1, s2, s14, $0xb8;
	[tilespmem:$0x880] =	vst v63  }
0x1f: {  	s16 =	simm.s32 $0x480  }
0x20: {  	[tilespmem:s16], [sflag:$0x1] =	stream.indirect.gather [hbm4b:s4+s14], $0x1, s7, s14, $0xb8;
	[tilespmem:$0x880] =	vst v63  }
0x21: {  	s17 =	simm.s32 $0x500  }
0x22: {  	[tilespmem:s17], [sflag:$0x1] =	stream.indirect.gather [hbm4b:s4+s14], $0x1, s9, s14, $0xb8;
	[tilespmem:$0x880] =	vst v63  }
0x23: {  	s18 =	simm.s32 $0x580  }
0x24: {  	[tilespmem:s18], [sflag:$0x1] =	stream.indirect.gather [hbm4b:s4+s14], $0x1, s11, s14, $0xb8;
	[tilespmem:$0x880] =	vst v63  }
0x25: {  	s19 =	simm.s32 $0x600;
	s20 =	simm.s32 $0x1  }
0x26: {  	[tilespmem:s19], [sflag:$0x1] =	stream.indirect.gather [hbm4b:s4+s14], $0x1, s13, s14, $0xb8;
	[tilespmem:$0x880] =	vst v63  }
0x27: {  	_ =	swait.ge [sflag:s20], $0x20  }
0x28: {  	[sflag:s20] =	ssyncset.done $0x0  }
0x29: {  	[sflag:s20] =	ssyncadd.s32 $0xFFFFFFE0  }
0x2a: {  	_ =	swait.ge [sflag:s20], $0x20  }
0x2b: {  	[sflag:s20] =	ssyncset.done $0x0  }
0x2c: {  	[sflag:s20] =	ssyncadd.s32 $0xFFFFFFE0  }
0x2d: {  	_ =	swait.ge [sflag:s20], $0x20  }
0x2e: {  	[sflag:s20] =	ssyncset.done $0x0  }
0x2f: {  	[sflag:s20] =	ssyncadd.s32 $0xFFFFFFE0  }
0x30: {  	_ =	swait.ge [sflag:s20], $0x20  }
0x31: {  	[sflag:s20] =	ssyncset.done $0x0  }
0x32: {  	[sflag:s20] =	ssyncadd.s32 $0xFFFFFFE0  }
0x33: {  	_ =	swait.ge [sflag:s20], $0x20  }
0x34: {  	[sflag:s20] =	ssyncset.done $0x0  }
0x35: {  	[sflag:s20] =	ssyncadd.s32 $0xFFFFFFE0  }
0x36: {  	v2 =	vld [tilespmem:$0x610]  }
0x37: {  	v6 =	vld [tilespmem:$0x590]  }
0x38: {  	v9 =	vld [tilespmem:$0x510]  }
0x39: {  	v10 =	vld [tilespmem:$0x490]  }
0x3a: {  	v8 =	vld [tilespmem:$0x480]  }
0x3b: {  	v5 =	vld [tilespmem:$0x500];
	_ =	sdelay $0x1  }
0x3c: {  	v11 =	vld [tilespmem:$0x410]  }
0x3d: {  	v1 =	vimm.s32 $0x1;
	v0 =	vimm.s32 $0x0;
	v4 =	vld [tilespmem:$0x400];
	vm0 =	veq.s32 v6, v2  }
0x3e: {  	vm1 =	veq.s32 v9, v6;
	vm2 =	veq.s32 v9, v2;
	vm3 =	veq.s32 v10, v6  }
0x3f: {  	vm4 =	veq.s32 v10, v2;
	vm15 =	veq.s32 v8, v5;
	v12 =	vsel vm0, $0x1, v0  }
0x40: {  	vm0 =	veq.s32 v10, v9;
	v13 =	vsel vm4, $0x1, v0;
	v14 =	vsel vm1, $0x2, v1  }
0x41: {  	v3 =	vld [tilespmem:$0x580];
	vm1 =	veq.s32 v11, v9;
	v15 =	vsel vm3, $0x1, v0;
	v18 =	vsel vm2, $0x1, v0  }
0x42: {  	vm2 =	veq.s32 v11, v2;
	vm3 =	veq.s32 v4, v8;
	v7 =	vsel vm0, $0x1, v0  }
0x43: {  	vm0 =	veq.s32 v11, v10;
	v17 =	vsel vm1, $0x1, v0;
	v20 =	vadd.s32 v15, v14  }
0x44: {  	vm1 =	veq.s32 v11, v6;
	v25 =	vsel vm2, $0x1, v0;
	v16 =	vsel vm0, $0x2, v1  }
0x45: {  	vm2 =	veq.s32 v4, v5;
	v19 =	vadd.s32 v17, v16;
	v16 =	vadd.s32 v7, v16  }
0x46: {  	s23 =	ssub.s32 $0x2, s23;
	v23 =	vsel vm3, $0x2, v1;
	vm0 =	veq.s32 v4, v3;
	v15 =	vadd.s32 v15, v16  }
0x47: {  	s24 =	sshrl.u32 s23, $0x1;
	v16 =	vadd.s32 v7, v14;
	v14 =	vadd.s32 v13, v15;
	v15 =	vsel vm1, $0x1, v0  }
0x48: {  	s23 =	ssub.s32 s23, s24;
	v7 =	vld [tilespmem:$0x600];
	v13 =	vadd.s32 v13, v25;
	v16 =	vadd.s32 v17, v16;
	vm1 =	veq.s32 v5, v3  }
0x49: {  	s23 =	smax.u32 s23, $0x1;
	v14 =	vmul.u32 $0x3E8, v14;
	v13 =	vadd.s32 v18, v13;
	v26 =	vadd.s32 v15, v19  }
0x4a: {  	p0 =	sne.s32 s23, $0x1;
	v17 =	vadd.s32 v15, v20;
	v16 =	vadd.s32 v18, v16;
	v19 =	vsel vm15, $0x1, v0  }
.Ltmp0:
0x4b: {  	v20 =	vsel vm2, $0x1, v0;
	v18 =	vsel vm1, $0x2, v1;
	v16 =	vmul.u32 $0x3E8, v16;
	(pc) =	sbr.rel @!p0 .LBB2_2-.Ltmp0, $4  }
0x4c: {  	v21 =	vadd.s32 v12, v17;
	v25 =	vadd.s32 v25, v26;
	v14 =	vsub.s32 v14, v10  }
0x4d: {  	v24 =	vmul.u32 $0x3E8, v21;
	v21 =	vadd.s32 v19, v23;
	vm5 =	veq.s32 v5, v7  }
0x4e: {  	s22 =	sshrl.u32 s22, $0x3;
	v17 =	vsub.s32 v16, v9;
	v16 =	vsel vm0, $0x1, v0;
	vm0 =	veq.s32 v8, v3  }
0x4f: {  	s21 =	sadd.s32 s21, s22;
	s22 =	simm.s32 $0x800;
	s23 =	sadd.s32 $0xFFFFFFFF, s23;
	vm1 =	veq.s32 v8, v7;
	v15 =	vsel vm5, $0x1, v0;
	v22 =	vsel vm0, $0x1, v0  }
.LBB2_1:
0x50: {  	p0 =	sne.s32 s23, $0x1;
	s23 =	sadd.s32 $0xFFFFFFFF, s23;
	v26 =	vsel vm1, $0x1, v0;
	v19 =	vadd.s32 v19, v18;
	v24 =	vsub.s32 v24, v6  }
0x51: {  	v23 =	vadd.s32 v20, v23;
	v19 =	vadd.s32 v20, v19;
	v20 =	vmul.u32 $0x3E8, v25  }
0x52: {  	vm0 =	veq.s32 v4, v7;
	v23 =	vadd.s32 v16, v23;
	v19 =	vadd.s32 v15, v19  }
0x53: {  	v18 =	vadd.s32 v22, v18;
	v25 =	vsel vm0, $0x1, v0;
	v20 =	vsub.s32 v20, v11  }
0x54: {  	v21 =	vadd.s32 v22, v21;
	vm0 =	veq.s32 v3, v7;
	vm1 =	vgt.s32 v14, v20  }
0x55: {  	v22 =	vsel vm0, $0x1, v0;
	v10 =	vsel vm1, v10, v11;
	v11 =	vsel vm1, v14, v20  }
0x56: {  	v12 =	vadd.s32 v12, v13;
	v14 =	vadd.s32 v25, v23;
	vm0 =	vgt.s32 v17, v11  }
0x57: {  	v13 =	vadd.s32 v26, v21;
	v20 =	vadd.s32 v26, v25;
	v11 =	vsel vm0, v17, v11  }
0x58: {  	v12 =	vmul.u32 $0x3E8, v12;
	v13 =	vmul.u32 $0x3E8, v13;
	vm1 =	vgt.s32 v24, v11  }
0x59: {  	v15 =	vadd.s32 v15, v20;
	v9 =	vsel vm0, v9, v10;
	v10 =	vsel vm1, v24, v11  }
0x5a: {  	v12 =	vsub.s32 v12, v2;
	v11 =	vmul.u32 $0x3E8, v14;
	v14 =	vmul.u32 $0x3E8, v19  }
0x5b: {  	v16 =	vadd.s32 v16, v18;
	v13 =	vsub.s32 v13, v8;
	v6 =	vsel vm1, v6, v9  }
0x5c: {  	v15 =	vadd.s32 v22, v15;
	v9 =	vsub.s32 v11, v4;
	v11 =	vadd.s32 v22, v16  }
0x5d: {  	v15 =	vmul.u32 $0x3E8, v15;
	vm0 =	vgt.s32 v13, v9;
	v11 =	vmul.u32 $0x3E8, v11  }
0x5e: {  	v12 =	vadd.s32 $0x3E8, v12;
	v9 =	vsel vm0, v13, v9;
	v13 =	vsub.s32 v14, v5  }
0x5f: {  	v4 =	vsel vm0, v8, v4;
	vm0 =	vgt.s32 v13, v9;
	v8 =	vsub.s32 v11, v3  }
0x60: {  	vm1 =	vgt.s32 v12, v10;
	v11 =	vsub.s32 v15, v7;
	v9 =	vsel vm0, v13, v9  }
0x61: {  	v4 =	vsel vm0, v5, v4;
	v5 =	vadd.s32 $0x3E8, v11;
	vm0 =	vgt.s32 v8, v9  }
0x62: {  	v2 =	vsel vm1, v2, v6;
	v3 =	vsel vm0, v3, v4;
	v4 =	vsel vm0, v8, v9  }
0x63: {  	vm0 =	vgt.s32 v5, v4;
	[tilespmem:$0x810] =	vst v2  }
0x64: {  	v2 =	vsel vm0, v7, v3  }
0x65: {  	[tilespmem:$0x800] =	vst v2  }
0x66: {  	[hbm4b:s21+s2] =	stream.linear.scatter [tilespmem:s22], [sflag:$0x2], $0x20, $0x38;
	[tilespmem:$0x880] =	vst v63  }
0x67: {  	_ =	swait.ge [sflag:s3], $0x20  }
0x68: {  	[sflag:s3] =	ssyncset.done $0x0  }
0x69: {  	[sflag:s3] =	ssyncadd.s32 $0xFFFFFFE0  }
0x6a: {  	[tilespmem:s2], [sflag:$0x2] =	stream.linear.gather [hbm4b:s5+s2], $0x20, $0x38;
	[tilespmem:$0x880] =	vst v63  }
0x6b: {  	_ =	swait.ge [sflag:s3], $0x20  }
0x6c: {  	[sflag:s3] =	ssyncset.done $0x0  }
0x6d: {  	[sflag:s3] =	ssyncadd.s32 $0xFFFFFFE0  }
0x6e: {  	[tilespmem:s7], [sflag:$0x2] =	stream.linear.gather [hbm4b:s6+s2], $0x20, $0x38;
	[tilespmem:$0x880] =	vst v63  }
0x6f: {  	_ =	swait.ge [sflag:s3], $0x20  }
0x70: {  	[sflag:s3] =	ssyncset.done $0x0  }
0x71: {  	[sflag:s3] =	ssyncadd.s32 $0xFFFFFFE0  }
0x72: {  	[tilespmem:s9], [sflag:$0x2] =	stream.linear.gather [hbm4b:s8+s2], $0x20, $0x38;
	[tilespmem:$0x880] =	vst v63  }
0x73: {  	_ =	swait.ge [sflag:s3], $0x20  }
0x74: {  	[sflag:s3] =	ssyncset.done $0x0  }
0x75: {  	[sflag:s3] =	ssyncadd.s32 $0xFFFFFFE0  }
0x76: {  	[tilespmem:s11], [sflag:$0x2] =	stream.linear.gather [hbm4b:s10+s2], $0x20, $0x38;
	[tilespmem:$0x880] =	vst v63  }
0x77: {  	_ =	swait.ge [sflag:s3], $0x20  }
0x78: {  	[sflag:s3] =	ssyncset.done $0x0  }
0x79: {  	[sflag:s3] =	ssyncadd.s32 $0xFFFFFFE0  }
0x7a: {  	[tilespmem:s13], [sflag:$0x2] =	stream.linear.gather [hbm4b:s12+s2], $0x20, $0x38;
	[tilespmem:$0x880] =	vst v63  }
0x7b: {  	_ =	swait.ge [sflag:s3], $0x20  }
0x7c: {  	[sflag:s3] =	ssyncset.done $0x0  }
0x7d: {  	[sflag:s3] =	ssyncadd.s32 $0xFFFFFFE0  }
0x7e: {  	[tilespmem:s15], [sflag:$0x1] =	stream.indirect.gather [hbm4b:s4+s14], $0x1, s2, s14, $0xb8;
	[tilespmem:$0x880] =	vst v63  }
0x7f: {  	_ = 	snop  }
0x80: {  	[tilespmem:s16], [sflag:$0x1] =	stream.indirect.gather [hbm4b:s4+s14], $0x1, s7, s14, $0xb8;
	[tilespmem:$0x880] =	vst v63  }
0x81: {  	_ = 	snop  }
0x82: {  	[tilespmem:s17], [sflag:$0x1] =	stream.indirect.gather [hbm4b:s4+s14], $0x1, s9, s14, $0xb8;
	[tilespmem:$0x880] =	vst v63  }
0x83: {  	_ = 	snop  }
0x84: {  	[tilespmem:s18], [sflag:$0x1] =	stream.indirect.gather [hbm4b:s4+s14], $0x1, s11, s14, $0xb8;
	[tilespmem:$0x880] =	vst v63  }
0x85: {  	_ = 	snop  }
0x86: {  	[tilespmem:s19], [sflag:$0x1] =	stream.indirect.gather [hbm4b:s4+s14], $0x1, s13, s14, $0xb8;
	[tilespmem:$0x880] =	vst v63  }
0x87: {  	_ =	swait.ge [sflag:s20], $0x20  }
0x88: {  	[sflag:s20] =	ssyncset.done $0x0  }
0x89: {  	[sflag:s20] =	ssyncadd.s32 $0xFFFFFFE0  }
0x8a: {  	_ =	swait.ge [sflag:s20], $0x20  }
0x8b: {  	[sflag:s20] =	ssyncset.done $0x0  }
0x8c: {  	[sflag:s20] =	ssyncadd.s32 $0xFFFFFFE0  }
0x8d: {  	_ =	swait.ge [sflag:s20], $0x20  }
0x8e: {  	[sflag:s20] =	ssyncset.done $0x0  }
0x8f: {  	[sflag:s20] =	ssyncadd.s32 $0xFFFFFFE0  }
0x90: {  	_ =	swait.ge [sflag:s20], $0x20  }
0x91: {  	[sflag:s20] =	ssyncset.done $0x0  }
0x92: {  	[sflag:s20] =	ssyncadd.s32 $0xFFFFFFE0  }
0x93: {  	_ =	swait.ge [sflag:s20], $0x20  }
0x94: {  	[sflag:s20] =	ssyncset.done $0x0  }
0x95: {  	[sflag:s20] =	ssyncadd.s32 $0xFFFFFFE0  }
0x96: {  	v2 =	vld [tilespmem:$0x610]  }
0x97: {  	v6 =	vld [tilespmem:$0x590]  }
0x98: {  	v9 =	vld [tilespmem:$0x510]  }
0x99: {  	v10 =	vld [tilespmem:$0x490]  }
0x9a: {  	v4 =	vld [tilespmem:$0x400]  }
0x9b: {  	v11 =	vld [tilespmem:$0x410]  }
0x9c: {  	vm0 =	veq.s32 v6, v2  }
0x9d: {  	v5 =	vld [tilespmem:$0x500];
	vm1 =	veq.s32 v9, v6;
	vm2 =	veq.s32 v9, v2;
	v12 =	vsel vm0, $0x1, v0  }
0x9e: {  	v3 =	vld [tilespmem:$0x580];
	vm0 =	veq.s32 v10, v9;
	vm3 =	veq.s32 v10, v6;
	vm4 =	veq.s32 v10, v2  }
0x9f: {  	v15 =	vsel vm1, $0x2, v1;
	v8 =	vld [tilespmem:$0x480];
	v13 =	vsel vm0, $0x1, v0;
	v14 =	vsel vm4, $0x1, v0  }
0xa0: {  	v16 =	vsel vm3, $0x1, v0;
	v7 =	vld [tilespmem:$0x600];
	vm0 =	veq.s32 v11, v10;
	vm1 =	veq.s32 v11, v9  }
0xa1: {  	v19 =	vsel vm2, $0x1, v0;
	v17 =	vsel vm0, $0x2, v1;
	v18 =	vsel vm1, $0x1, v0  }
0xa2: {  	v21 =	vadd.s32 v16, v15;
	v20 =	vadd.s32 v18, v17;
	v17 =	vadd.s32 v13, v17  }
0xa3: {  	v13 =	vadd.s32 v13, v15;
	vm0 =	veq.s32 v4, v3;
	v16 =	vadd.s32 v16, v17  }
0xa4: {  	vm2 =	veq.s32 v11, v2;
	vm1 =	veq.s32 v11, v6;
	v15 =	vadd.s32 v14, v16  }
0xa5: {  	v25 =	vsel vm2, $0x1, v0;
	vm3 =	veq.s32 v4, v8;
	v15 =	vmul.u32 $0x3E8, v15  }
0xa6: {  	vm2 =	veq.s32 v4, v5;
	v17 =	vadd.s32 v14, v25;
	v16 =	vsel vm1, $0x1, v0  }
0xa7: {  	v14 =	vsub.s32 v15, v10;
	v15 =	vadd.s32 v18, v13;
	v13 =	vadd.s32 v19, v17  }
0xa8: {  	vm1 =	veq.s32 v5, v3;
	v26 =	vadd.s32 v16, v20;
	v16 =	vadd.s32 v16, v21  }
0xa9: {  	vm4 =	veq.s32 v8, v5;
	vm5 =	veq.s32 v5, v7;
	v17 =	vadd.s32 v19, v15  }
.Ltmp1:
0xaa: {  	v19 =	vsel vm4, $0x1, v0;
	v15 =	vsel vm5, $0x1, v0;
	v17 =	vmul.u32 $0x3E8, v17;
	(pc) =	sbr.rel @p0 .LBB2_1-.Ltmp1, $4  }
0xab: {  	v20 =	vsel vm2, $0x1, v0;
	v21 =	vadd.s32 v12, v16;
	v18 =	vsel vm1, $0x2, v1  }
0xac: {  	v23 =	vsel vm3, $0x2, v1;
	vm1 =	veq.s32 v8, v7;
	v17 =	vsub.s32 v17, v9  }
0xad: {  	v16 =	vsel vm0, $0x1, v0;
	vm0 =	veq.s32 v8, v3;
	v24 =	vmul.u32 $0x3E8, v21  }
0xae: {  	v25 =	vadd.s32 v25, v26;
	v22 =	vsel vm0, $0x1, v0;
	v21 =	vadd.s32 v19, v23  }
.LBB2_2:
0xaf: {  	v1 =	vsel vm1, $0x1, v0  }
0xb0: {  	v19 =	vadd.s32 v19, v18;
	v24 =	vsub.s32 v24, v6;
	v23 =	vadd.s32 v20, v23  }
0xb1: {  	v44 =	vmul.u32 $0x3E8, v25;
	vm0 =	veq.s32 v4, v7;
	v46 =	vadd.s32 v22, v18  }
0xb2: {  	vm7 =	veq.s32 v3, v7;
	v21 =	vadd.s32 v22, v21;
	v12 =	vadd.s32 v12, v13  }
0xb3: {  	v19 =	vadd.s32 v20, v19;
	v23 =	vadd.s32 v16, v23;
	v45 =	vsel vm0, $0x1, v0  }
0xb4: {  	v47 =	vsel vm7, $0x1, v0;
	v50 =	vadd.s32 v1, v21;
	v12 =	vmul.u32 $0x3E8, v12  }
0xb5: {  	v54 =	vadd.s32 v16, v46;
	v19 =	vadd.s32 v15, v19;
	v20 =	vsub.s32 v44, v11  }
0xb6: {  	v49 =	vadd.s32 v45, v23;
	v1 =	vadd.s32 v1, v45;
	v13 =	vmul.u32 $0x3E8, v50  }
0xb7: {  	v57 =	vadd.s32 v47, v54;
	vm8 =	vgt.s32 v14, v20;
	v1 =	vadd.s32 v15, v1  }
0xb8: {  	v52 =	vmul.u32 $0x3E8, v49;
	v53 =	vmul.u32 $0x3E8, v19;
	v12 =	vsub.s32 v12, v2  }
0xb9: {  	v58 =	vmul.u32 $0x3E8, v57;
	v10 =	vsel vm8, v10, v11;
	v48 =	vsel vm8, v14, v20  }
0xba: {  	v13 =	vsub.s32 v13, v8;
	v0 =	vadd.s32 v47, v1;
	vm9 =	vgt.s32 v17, v48  }
0xbb: {  	v56 =	vsub.s32 v52, v4;
	v59 =	vsub.s32 v53, v5;
	v11 =	vsel vm9, v17, v48  }
0xbc: {  	v9 =	vsel vm9, v9, v10;
	vm11 =	vgt.s32 v13, v56;
	vm10 =	vgt.s32 v24, v11  }
0xbd: {  	v0 =	vmul.u32 $0x3E8, v0;
	v55 =	vsel vm10, v6, v9;
	v9 =	vsel vm11, v13, v56  }
0xbe: {  	v12 =	vadd.s32 $0x3E8, v12;
	v1 =	vsub.s32 v58, v3;
	vm12 =	vgt.s32 v59, v9  }
0xbf: {  	v60 =	vsel vm11, v8, v4;
	v0 =	vsub.s32 v0, v7;
	v61 =	vsel vm12, v59, v9  }
0xc0: {  	v51 =	vsel vm10, v24, v11;
	v0 =	vadd.s32 $0x3E8, v0;
	vm13 =	vgt.s32 v1, v61  }
0xc1: {  	vm14 =	vgt.s32 v12, v51;
	v4 =	vsel vm12, v5, v60;
	v1 =	vsel vm13, v1, v61  }
0xc2: {  	v63 =	vsel vm14, v2, v55;
	v62 =	vsel vm13, v3, v4;
	vm15 =	vgt.s32 v0, v1  }
0xc3: {  	[tilespmem:$0x810] =	vst v63;
	v0 =	vsel vm15, v7, v62  }
0xc4: {  	[tilespmem:$0x800] =	vst v0  }
0xc5: {  	[hbm4b:s21+s2] =	stream.linear.scatter [tilespmem:s22], [sflag:$0x2], $0x20, $0x38;
	[tilespmem:$0x880] =	vst v63  }
0xc6: {  	_ =	swait.ge [sflag:s3], $0x20  }
0xc7: {  	[sflag:s3] =	ssyncset.done $0x0  }
0xc8: {  	[sflag:s3] =	ssyncadd.s32 $0xFFFFFFE0  }
0xc9: {  	_ =	sfence.sel $0x180000  }
0xca: {  	[bflag:$0x0] =	sbarrier.arrive $0xFFFF  }
0xcb: {  	p0 =	sne.s32 s0, $0x0;
	_ =	strace $0x90000047  }
0xcc: {  	s0 =	sadd.s32 @!p0 $0x100000, s1;
	[bflag:$0x2] =	sbarrier.arrive $0xFFFF  }
0xcd: {  	[sflag:s0] =	ssyncadd.tile.s32 @!p0 $0x1;
	_ =	shalt  }
.Lfunc_end2:
_tile_overlayer_lowered:
.L_overlay_start_2:
0xce: {  	(tag) =	ssettag $0x2  }
0xcf: {  	s0 =	rddreg [dreg:$0x0];
	s2 =	stileid.u32  }
0xd0: {  	s1 =	rddreg [dreg:$0x1];
	p0 =	sne.s32 s2, $0x0  }
0xd1: {  	s3 =	rddreg [dreg:$0x2];
	[bflag:$0x3] =	sbarrier.arrive $0xFFFF;
	s2 =	simm.s32 @!p0 $0x1C02  }
0xd2: {  	[timem:s3], [sflag:s2] =	dma.local @!p0 [hbm:s0], s1  }
0xd3: {  	s0 =	simm.s32 @!p0 $0x2  }
0xd4: {  	_ =	swait.ge @!p0 [sflag:s0], s1  }
0xd5: {  	s1 =	ssub.s32 @!p0 $0x0, s1;
	[sflag:s0] =	ssyncset.done @!p0 $0x0  }
0xd6: {  	[sflag:s0] =	ssyncadd.s32 @!p0 s1  }
0xd7: {  	[bflag:$0x3] =	sbarrier.arrive $0xFFFF  }
0xd8: {  	_ =	shalt  }

</sc_bundles>
